<compile_context>
chip_gen: v7x
topology: tpu7x:2x2x1
jax: 0.10.2.dev20260603
libtpu: 0.0.44.dev20260713+nightly
codegen_flags: <defaults>
</compile_context>

<pallas_src>
import functools

import jax
import jax.numpy as jnp
from jax import lax
from jax.experimental import pallas as pl
from jax.experimental.pallas import tpu as pltpu
from jax.experimental.pallas import tpu_sc as plsc

DIM = 300
DIM_PAD = 384
SEQ = 50
SEQ_PAD = 56


def _pad_cols_tc(table):
    v = table.shape[0]
    blk = 2000

    def body(in_ref, out_ref):
        out_ref[:, :DIM] = in_ref[...]

    return pl.pallas_call(
        body,
        grid=(v // blk,),
        in_specs=[pl.BlockSpec((blk, DIM), lambda i: (i, 0))],
        out_specs=pl.BlockSpec((blk, DIM_PAD), lambda i: (i, 0)),
        out_shape=jax.ShapeDtypeStruct((v, DIM_PAD), jnp.float32),
    )(table)


def _embed_gather(idx_grp, table, n_batch, num_cores, num_subcores):
    b_per_w = idx_grp.shape[1]

    mesh = plsc.VectorSubcoreMesh(core_axis_name="c", subcore_axis_name="s")

    nbuf = 4

    @functools.partial(
        pl.kernel,
        mesh=mesh,
        out_type=jax.ShapeDtypeStruct((n_batch * SEQ_PAD, DIM_PAD), jnp.float32),
        scratch_types=[
            pltpu.VMEM((b_per_w, SEQ_PAD), jnp.int32),
            [pltpu.VMEM((SEQ_PAD, DIM_PAD), jnp.float32) for _ in range(nbuf)],
            [pltpu.SemaphoreType.DMA for _ in range(nbuf)],
            [pltpu.SemaphoreType.DMA for _ in range(nbuf)],
        ],
    )
    def k(idx_hbm, table_hbm, out_hbm, idx_v, rows, gsems, wsems):
        wid = lax.axis_index("s") * num_cores + lax.axis_index("c")
        base_b = wid * b_per_w
        pltpu.sync_copy(idx_hbm.at[wid], idx_v)

        def g_start(jb, p):
            pltpu.async_copy(table_hbm.at[idx_v.at[jb]], rows[p], gsems[p])

        def wb_start(jb, p):
            pltpu.async_copy(
                rows[p], out_hbm.at[pl.ds((base_b + jb) * SEQ_PAD, SEQ_PAD)],
                wsems[p],
            )

        for p in range(nbuf):
            g_start(p, p)

        @pl.loop(0, b_per_w, step=nbuf)
        def _(jb):
            for p in range(nbuf):
                j = jb + p
                pltpu.make_async_copy(
                    table_hbm.at[idx_v.at[j]], rows[p], gsems[p]
                ).wait()
                wb_start(j, p)

                @pl.when(j + nbuf < b_per_w)
                def _():
                    pltpu.make_async_copy(
                        rows[p],
                        out_hbm.at[pl.ds((base_b + j) * SEQ_PAD, SEQ_PAD)],
                        wsems[p],
                    ).wait()
                    g_start(j + nbuf, p)

        for p in range(nbuf):
            j = b_per_w - nbuf + p
            pltpu.make_async_copy(
                rows[p],
                out_hbm.at[pl.ds((base_b + j) * SEQ_PAD, SEQ_PAD)],
                wsems[p],
            ).wait()

    return k(idx_grp, table)


def kernel(xc, xw, table):
    del xc
    b, l = xw.shape
    info = plsc.get_sparse_core_info()
    nw = info.num_cores * info.num_subcores
    idx = xw.reshape(nw, b // nw, l).astype(jnp.int32)
    idx = jnp.pad(idx, ((0, 0), (0, 0), (0, SEQ_PAD - SEQ)), mode="edge")
    table_p = _pad_cols_tc(table)
    out = _embed_gather(idx, table_p, b, info.num_cores, info.num_subcores)
    return out.reshape(b, SEQ_PAD, DIM_PAD)[:, :SEQ, :DIM]

# --- scband reference (transcript-rebuilt; emitter-appended) ---
"""Pipeline reference for scband-embed-86260123173474 (READ-ONLY COPY).

The authoritative reference and input builder live on the scoring server;
editing this copy changes nothing except your own understanding.
"""

import jax, jax.numpy as jnp
import numpy as np

VOCAB = 100000
DIM = 300
PAD_IDX = 0


def setup_inputs(seed: int = 0) -> dict:
    key = jax.random.key(seed)
    k1, k2, k3 = jax.random.split(key, 3)
    # xc is a required forward arg but unused because EMBED only contains 'lookup'
    xc = jax.random.randint(k1, (4096, 50, 10), 0, 100, dtype=jnp.int64)
    xw = jax.random.randint(k2, (4096, 50), 0, VOCAB, dtype=jnp.int64)
    # nn.Embedding weight with padding_idx=0 -> row 0 zeroed at init
    table = jax.random.normal(k3, (VOCAB, DIM), dtype=jnp.float32)
    table = table.at[PAD_IDX].set(0.0)
    return {"xc": xc, "xw": xw, "table": table}


def reference(xc, xw, table):
    # Only 'lookup' is in EMBED, so hc is None and hw = word_embed(xw).
    hw = jnp.take(table, xw, axis=0)  # [B, L, 300]
    # torch.cat([hw], 2) is identity on the single tensor
    h = jnp.concatenate([hw], axis=2)
    # hre=False, so no sentence-level RNN
    return h

if __name__ == "__main__":
    import jax
    _d = setup_inputs()
    print(jax.jit(kernel)(*tuple(_d.values())))

</pallas_src>

<mosaic_0001>
#map = affine_map<(d0, d1) -> (0, 0, 0)>
#map1 = affine_map<(d0, d1) -> (0, 0)>
module attributes {stable_mosaic.version = 14 : i64} {
  func.func @k(%arg0: i32, %arg1: i32, %arg2: memref<32x128x56xi32, #tpu.memory_space<hbm>>, %arg3: memref<100000x384xf32, #tpu.memory_space<hbm>>, %arg4: memref<229376x384xf32, #tpu.memory_space<hbm>>, %arg5: memref<128x56xi32, #tpu.memory_space<vmem>>, %arg6: memref<56x384xf32, #tpu.memory_space<vmem>>, %arg7: memref<56x384xf32, #tpu.memory_space<vmem>>, %arg8: memref<56x384xf32, #tpu.memory_space<vmem>>, %arg9: memref<56x384xf32, #tpu.memory_space<vmem>>, %arg10: memref<!tpu.dma_semaphore, #tpu.memory_space<semaphore_mem>>, %arg11: memref<!tpu.dma_semaphore, #tpu.memory_space<semaphore_mem>>, %arg12: memref<!tpu.dma_semaphore, #tpu.memory_space<semaphore_mem>>, %arg13: memref<!tpu.dma_semaphore, #tpu.memory_space<semaphore_mem>>, %arg14: memref<!tpu.dma_semaphore, #tpu.memory_space<semaphore_mem>>, %arg15: memref<!tpu.dma_semaphore, #tpu.memory_space<semaphore_mem>>, %arg16: memref<!tpu.dma_semaphore, #tpu.memory_space<semaphore_mem>>, %arg17: memref<!tpu.dma_semaphore, #tpu.memory_space<semaphore_mem>>) attributes {dimension_semantics = [#tpu.dimension_semantics<core_parallel>, #tpu.dimension_semantics<subcore_parallel>], iteration_bounds = array<i64: 2, 16>, scalar_prefetch = 0 : i64, scratch_operands = 13 : i64, tpu.core_type = #tpu.core_type<sc_vector_subcore>, window_params = [{transform_indices = #map}, {transform_indices = #map1}, {transform_indices = #map1}]} {
    %mul3A = arith.constant 2 : i32
    %mul3A_0 = arith.muli %arg1, %mul3A : i32
    %add3A = arith.addi %mul3A_0, %arg0 : i32
    %mul3A_1 = arith.constant 128 : i32
    %mul3A_2 = arith.muli %add3A, %mul3A_1 : i32
    "tpu.region"() ({
      %run_scoped3A = tpu.sem_alloc : memref<!tpu.dma_semaphore, #tpu.memory_space<semaphore_mem>>
      %dma_start3A_65 = arith.constant 0 : i32
      %dma_start3A_66 = arith.constant 0 : i32
      %dma_start3A_67 = tpu.memref_slice %arg2[%add3A, %dma_start3A_65, %dma_start3A_66] : memref<32x128x56xi32, #tpu.memory_space<hbm>> -> memref<1x128x56xi32, #tpu.memory_space<hbm>>
      %dma_start3A_68 = tpu.memref_squeeze %dma_start3A_67 : memref<1x128x56xi32, #tpu.memory_space<hbm>> -> memref<128x56xi32, #tpu.memory_space<hbm>>
      %dma_start3A_69 = arith.constant 0 : i32
      %dma_start3A_70 = arith.constant 0 : i32
      %dma_start3A_71 = tpu.memref_slice %arg2[%add3A, %dma_start3A_69, %dma_start3A_70] : memref<32x128x56xi32, #tpu.memory_space<hbm>> -> memref<1x128x56xi32, #tpu.memory_space<hbm>>
      %dma_start3A_72 = tpu.memref_squeeze %dma_start3A_71 : memref<1x128x56xi32, #tpu.memory_space<hbm>> -> memref<128x56xi32, #tpu.memory_space<hbm>>
      tpu.enqueue_dma source(%dma_start3A_72 : memref<128x56xi32, #tpu.memory_space<hbm>>) target(%arg5 : memref<128x56xi32, #tpu.memory_space<vmem>>) target_semaphore(%run_scoped3A : memref<!tpu.dma_semaphore, #tpu.memory_space<semaphore_mem>>)
      %dma_wait3A_73 = arith.constant 0 : i32
      %dma_wait3A_74 = arith.constant 0 : i32
      %dma_wait3A_75 = tpu.memref_slice %arg2[%add3A, %dma_wait3A_73, %dma_wait3A_74] : memref<32x128x56xi32, #tpu.memory_space<hbm>> -> memref<1x128x56xi32, #tpu.memory_space<hbm>>
      %dma_wait3A_76 = tpu.memref_squeeze %dma_wait3A_75 : memref<1x128x56xi32, #tpu.memory_space<hbm>> -> memref<128x56xi32, #tpu.memory_space<hbm>>
      %dma_wait3A_77 = arith.constant 0 : i32
      %dma_wait3A_78 = arith.constant 0 : i32
      %dma_wait3A_79 = tpu.memref_slice %arg2[%add3A, %dma_wait3A_77, %dma_wait3A_78] : memref<32x128x56xi32, #tpu.memory_space<hbm>> -> memref<1x128x56xi32, #tpu.memory_space<hbm>>
      %dma_wait3A_80 = tpu.memref_squeeze %dma_wait3A_79 : memref<1x128x56xi32, #tpu.memory_space<hbm>> -> memref<128x56xi32, #tpu.memory_space<hbm>>
      tpu.wait_dma2 semaphore(%run_scoped3A : memref<!tpu.dma_semaphore, #tpu.memory_space<semaphore_mem>>) src(%dma_wait3A_80 : memref<128x56xi32, #tpu.memory_space<hbm>>) dst(%arg5 : memref<128x56xi32, #tpu.memory_space<vmem>>)
      tpu.yield
    }) : () -> ()
    %dma_start3A = arith.constant 0 : i32
    %dma_start3A_3 = arith.constant 0 : i32
    %dma_start3A_4 = tpu.memref_slice %arg5[%dma_start3A, %dma_start3A_3] : memref<128x56xi32, #tpu.memory_space<vmem>> -> memref<1x56xi32, #tpu.memory_space<vmem>>
    %dma_start3A_5 = tpu.memref_squeeze %dma_start3A_4 : memref<1x56xi32, #tpu.memory_space<vmem>> -> memref<56xi32, #tpu.memory_space<vmem>>
    %dma_start3A_6 = arith.constant 0 : i32
    %dma_start3A_7 = arith.constant 0 : i32
    %dma_start3A_8 = tpu.memref_slice %arg3[%dma_start3A_6, %dma_start3A_7] : memref<100000x384xf32, #tpu.memory_space<hbm>> -> memref<100000x384xf32, #tpu.memory_space<hbm>>
    tpu.enqueue_indirect_dma source(%dma_start3A_8 : memref<100000x384xf32, #tpu.memory_space<hbm>>) target(%arg6 : memref<56x384xf32, #tpu.memory_space<vmem>>) offsets(%dma_start3A_5 : memref<56xi32, #tpu.memory_space<vmem>>) semaphore(%arg10 : memref<!tpu.dma_semaphore, #tpu.memory_space<semaphore_mem>>)
    %dma_start3A_9 = arith.constant 1 : i32
    %dma_start3A_10 = arith.constant 0 : i32
    %dma_start3A_11 = tpu.memref_slice %arg5[%dma_start3A_9, %dma_start3A_10] : memref<128x56xi32, #tpu.memory_space<vmem>> -> memref<1x56xi32, #tpu.memory_space<vmem>>
    %dma_start3A_12 = tpu.memref_squeeze %dma_start3A_11 : memref<1x56xi32, #tpu.memory_space<vmem>> -> memref<56xi32, #tpu.memory_space<vmem>>
    %dma_start3A_13 = arith.constant 0 : i32
    %dma_start3A_14 = arith.constant 0 : i32
    %dma_start3A_15 = tpu.memref_slice %arg3[%dma_start3A_13, %dma_start3A_14] : memref<100000x384xf32, #tpu.memory_space<hbm>> -> memref<100000x384xf32, #tpu.memory_space<hbm>>
    tpu.enqueue_indirect_dma source(%dma_start3A_15 : memref<100000x384xf32, #tpu.memory_space<hbm>>) target(%arg7 : memref<56x384xf32, #tpu.memory_space<vmem>>) offsets(%dma_start3A_12 : memref<56xi32, #tpu.memory_space<vmem>>) semaphore(%arg11 : memref<!tpu.dma_semaphore, #tpu.memory_space<semaphore_mem>>)
    %dma_start3A_16 = arith.constant 2 : i32
    %dma_start3A_17 = arith.constant 0 : i32
    %dma_start3A_18 = tpu.memref_slice %arg5[%dma_start3A_16, %dma_start3A_17] : memref<128x56xi32, #tpu.memory_space<vmem>> -> memref<1x56xi32, #tpu.memory_space<vmem>>
    %dma_start3A_19 = tpu.memref_squeeze %dma_start3A_18 : memref<1x56xi32, #tpu.memory_space<vmem>> -> memref<56xi32, #tpu.memory_space<vmem>>
    %dma_start3A_20 = arith.constant 0 : i32
    %dma_start3A_21 = arith.constant 0 : i32
    %dma_start3A_22 = tpu.memref_slice %arg3[%dma_start3A_20, %dma_start3A_21] : memref<100000x384xf32, #tpu.memory_space<hbm>> -> memref<100000x384xf32, #tpu.memory_space<hbm>>
    tpu.enqueue_indirect_dma source(%dma_start3A_22 : memref<100000x384xf32, #tpu.memory_space<hbm>>) target(%arg8 : memref<56x384xf32, #tpu.memory_space<vmem>>) offsets(%dma_start3A_19 : memref<56xi32, #tpu.memory_space<vmem>>) semaphore(%arg12 : memref<!tpu.dma_semaphore, #tpu.memory_space<semaphore_mem>>)
    %dma_start3A_23 = arith.constant 3 : i32
    %dma_start3A_24 = arith.constant 0 : i32
    %dma_start3A_25 = tpu.memref_slice %arg5[%dma_start3A_23, %dma_start3A_24] : memref<128x56xi32, #tpu.memory_space<vmem>> -> memref<1x56xi32, #tpu.memory_space<vmem>>
    %dma_start3A_26 = tpu.memref_squeeze %dma_start3A_25 : memref<1x56xi32, #tpu.memory_space<vmem>> -> memref<56xi32, #tpu.memory_space<vmem>>
    %dma_start3A_27 = arith.constant 0 : i32
    %dma_start3A_28 = arith.constant 0 : i32
    %dma_start3A_29 = tpu.memref_slice %arg3[%dma_start3A_27, %dma_start3A_28] : memref<100000x384xf32, #tpu.memory_space<hbm>> -> memref<100000x384xf32, #tpu.memory_space<hbm>>
    tpu.enqueue_indirect_dma source(%dma_start3A_29 : memref<100000x384xf32, #tpu.memory_space<hbm>>) target(%arg9 : memref<56x384xf32, #tpu.memory_space<vmem>>) offsets(%dma_start3A_26 : memref<56xi32, #tpu.memory_space<vmem>>) semaphore(%arg13 : memref<!tpu.dma_semaphore, #tpu.memory_space<semaphore_mem>>)
    %scan3A = arith.constant 0 : i32
    %scan3A_30 = arith.constant 32 : i32
    %scan3A_31 = arith.addi %scan3A, %scan3A_30 : i32
    %scan3A_32 = arith.constant 1 : i32
    scf.for %scan3A_65 = %scan3A to %scan3A_31 step %scan3A_32  : i32 {
      %mul3A_66 = arith.constant 4 : i32
      %mul3A_67 = arith.muli %scan3A_65, %mul3A_66 : i32
      %add3A_68 = arith.constant 0 : i32
      %add3A_69 = arith.addi %add3A_68, %mul3A_67 : i32
      %add3A_70 = arith.constant 0 : i32
      %add3A_71 = arith.addi %add3A_69, %add3A_70 : i32
      %dma_wait3A_72 = arith.constant 0 : i32
      %dma_wait3A_73 = tpu.memref_slice %arg5[%add3A_71, %dma_wait3A_72] : memref<128x56xi32, #tpu.memory_space<vmem>> -> memref<1x56xi32, #tpu.memory_space<vmem>>
      %dma_wait3A_74 = tpu.memref_squeeze %dma_wait3A_73 : memref<1x56xi32, #tpu.memory_space<vmem>> -> memref<56xi32, #tpu.memory_space<vmem>>
      %dma_wait3A_75 = arith.constant 0 : i32
      %dma_wait3A_76 = arith.constant 0 : i32
      %dma_wait3A_77 = tpu.memref_slice %arg3[%dma_wait3A_75, %dma_wait3A_76] : memref<100000x384xf32, #tpu.memory_space<hbm>> -> memref<100000x384xf32, #tpu.memory_space<hbm>>
      tpu.wait_indirect_dma semaphore(%arg10 : memref<!tpu.dma_semaphore, #tpu.memory_space<semaphore_mem>>) src(%dma_wait3A_77 : memref<100000x384xf32, #tpu.memory_space<hbm>>) dst(%arg6 : memref<56x384xf32, #tpu.memory_space<vmem>>)
      %add3A_78 = arith.addi %mul3A_2, %add3A_71 : i32
      %mul3A_79 = arith.constant 56 : i32
      %mul3A_80 = arith.muli %add3A_78, %mul3A_79 : i32
      %dma_start3A_81 = arith.constant 0 : i32
      %dma_start3A_82 = tpu.memref_slice %arg4[%mul3A_80, %dma_start3A_81] : memref<229376x384xf32, #tpu.memory_space<hbm>> -> memref<56x384xf32, #tpu.memory_space<hbm>>
      %dma_start3A_83 = arith.constant 0 : i32
      %dma_start3A_84 = tpu.memref_slice %arg4[%mul3A_80, %dma_start3A_83] : memref<229376x384xf32, #tpu.memory_space<hbm>> -> memref<56x384xf32, #tpu.memory_space<hbm>>
      tpu.enqueue_dma source(%arg6 : memref<56x384xf32, #tpu.memory_space<vmem>>) target(%dma_start3A_84 : memref<56x384xf32, #tpu.memory_space<hbm>>) target_semaphore(%arg14 : memref<!tpu.dma_semaphore, #tpu.memory_space<semaphore_mem>>)
      %add3A_85 = arith.constant 4 : i32
      %add3A_86 = arith.addi %add3A_71, %add3A_85 : i32
      %lt3A = arith.constant 128 : i32
      %lt3A_87 = arith.cmpi slt, %add3A_86, %lt3A : i32
      %convert_element_type3A = arith.extui %lt3A_87 : i1 to i32
      %cond3A = arith.constant 0 : i32
      %cond3A_88 = arith.cmpi ne, %convert_element_type3A, %cond3A : i32
      scf.if %cond3A_88 {
        %add3A_155 = arith.addi %mul3A_2, %add3A_71 : i32
        %mul3A_156 = arith.constant 56 : i32
        %mul3A_157 = arith.muli %add3A_155, %mul3A_156 : i32
        %dma_wait3A_158 = arith.constant 0 : i32
        %dma_wait3A_159 = tpu.memref_slice %arg4[%mul3A_157, %dma_wait3A_158] : memref<229376x384xf32, #tpu.memory_space<hbm>> -> memref<56x384xf32, #tpu.memory_space<hbm>>
        %dma_wait3A_160 = arith.constant 0 : i32
        %dma_wait3A_161 = tpu.memref_slice %arg4[%mul3A_157, %dma_wait3A_160] : memref<229376x384xf32, #tpu.memory_space<hbm>> -> memref<56x384xf32, #tpu.memory_space<hbm>>
        tpu.wait_dma2 semaphore(%arg14 : memref<!tpu.dma_semaphore, #tpu.memory_space<semaphore_mem>>) src(%arg6 : memref<56x384xf32, #tpu.memory_space<vmem>>) dst(%dma_wait3A_161 : memref<56x384xf32, #tpu.memory_space<hbm>>)
        %add3A_162 = arith.constant 4 : i32
        %add3A_163 = arith.addi %add3A_71, %add3A_162 : i32
        %dma_start3A_164 = arith.constant 0 : i32
        %dma_start3A_165 = tpu.memref_slice %arg5[%add3A_163, %dma_start3A_164] : memref<128x56xi32, #tpu.memory_space<vmem>> -> memref<1x56xi32, #tpu.memory_space<vmem>>
        %dma_start3A_166 = tpu.memref_squeeze %dma_start3A_165 : memref<1x56xi32, #tpu.memory_space<vmem>> -> memref<56xi32, #tpu.memory_space<vmem>>
        %dma_start3A_167 = arith.constant 0 : i32
        %dma_start3A_168 = arith.constant 0 : i32
        %dma_start3A_169 = tpu.memref_slice %arg3[%dma_start3A_167, %dma_start3A_168] : memref<100000x384xf32, #tpu.memory_space<hbm>> -> memref<100000x384xf32, #tpu.memory_space<hbm>>
        tpu.enqueue_indirect_dma source(%dma_start3A_169 : memref<100000x384xf32, #tpu.memory_space<hbm>>) target(%arg6 : memref<56x384xf32, #tpu.memory_space<vmem>>) offsets(%dma_start3A_166 : memref<56xi32, #tpu.memory_space<vmem>>) semaphore(%arg10 : memref<!tpu.dma_semaphore, #tpu.memory_space<semaphore_mem>>)
      } else {
      }
      %add3A_89 = arith.constant 1 : i32
      %add3A_90 = arith.addi %add3A_69, %add3A_89 : i32
      %dma_wait3A_91 = arith.constant 0 : i32
      %dma_wait3A_92 = tpu.memref_slice %arg5[%add3A_90, %dma_wait3A_91] : memref<128x56xi32, #tpu.memory_space<vmem>> -> memref<1x56xi32, #tpu.memory_space<vmem>>
      %dma_wait3A_93 = tpu.memref_squeeze %dma_wait3A_92 : memref<1x56xi32, #tpu.memory_space<vmem>> -> memref<56xi32, #tpu.memory_space<vmem>>
      %dma_wait3A_94 = arith.constant 0 : i32
      %dma_wait3A_95 = arith.constant 0 : i32
      %dma_wait3A_96 = tpu.memref_slice %arg3[%dma_wait3A_94, %dma_wait3A_95] : memref<100000x384xf32, #tpu.memory_space<hbm>> -> memref<100000x384xf32, #tpu.memory_space<hbm>>
      tpu.wait_indirect_dma semaphore(%arg11 : memref<!tpu.dma_semaphore, #tpu.memory_space<semaphore_mem>>) src(%dma_wait3A_96 : memref<100000x384xf32, #tpu.memory_space<hbm>>) dst(%arg7 : memref<56x384xf32, #tpu.memory_space<vmem>>)
      %add3A_97 = arith.addi %mul3A_2, %add3A_90 : i32
      %mul3A_98 = arith.constant 56 : i32
      %mul3A_99 = arith.muli %add3A_97, %mul3A_98 : i32
      %dma_start3A_100 = arith.constant 0 : i32
      %dma_start3A_101 = tpu.memref_slice %arg4[%mul3A_99, %dma_start3A_100] : memref<229376x384xf32, #tpu.memory_space<hbm>> -> memref<56x384xf32, #tpu.memory_space<hbm>>
      %dma_start3A_102 = arith.constant 0 : i32
      %dma_start3A_103 = tpu.memref_slice %arg4[%mul3A_99, %dma_start3A_102] : memref<229376x384xf32, #tpu.memory_space<hbm>> -> memref<56x384xf32, #tpu.memory_space<hbm>>
      tpu.enqueue_dma source(%arg7 : memref<56x384xf32, #tpu.memory_space<vmem>>) target(%dma_start3A_103 : memref<56x384xf32, #tpu.memory_space<hbm>>) target_semaphore(%arg15 : memref<!tpu.dma_semaphore, #tpu.memory_space<semaphore_mem>>)
      %add3A_104 = arith.constant 4 : i32
      %add3A_105 = arith.addi %add3A_90, %add3A_104 : i32
      %lt3A_106 = arith.constant 128 : i32
      %lt3A_107 = arith.cmpi slt, %add3A_105, %lt3A_106 : i32
      %convert_element_type3A_108 = arith.extui %lt3A_107 : i1 to i32
      %cond3A_109 = arith.constant 0 : i32
      %cond3A_110 = arith.cmpi ne, %convert_element_type3A_108, %cond3A_109 : i32
      scf.if %cond3A_110 {
        %add3A_155 = arith.addi %mul3A_2, %add3A_90 : i32
        %mul3A_156 = arith.constant 56 : i32
        %mul3A_157 = arith.muli %add3A_155, %mul3A_156 : i32
        %dma_wait3A_158 = arith.constant 0 : i32
        %dma_wait3A_159 = tpu.memref_slice %arg4[%mul3A_157, %dma_wait3A_158] : memref<229376x384xf32, #tpu.memory_space<hbm>> -> memref<56x384xf32, #tpu.memory_space<hbm>>
        %dma_wait3A_160 = arith.constant 0 : i32
        %dma_wait3A_161 = tpu.memref_slice %arg4[%mul3A_157, %dma_wait3A_160] : memref<229376x384xf32, #tpu.memory_space<hbm>> -> memref<56x384xf32, #tpu.memory_space<hbm>>
        tpu.wait_dma2 semaphore(%arg15 : memref<!tpu.dma_semaphore, #tpu.memory_space<semaphore_mem>>) src(%arg7 : memref<56x384xf32, #tpu.memory_space<vmem>>) dst(%dma_wait3A_161 : memref<56x384xf32, #tpu.memory_space<hbm>>)
        %add3A_162 = arith.constant 4 : i32
        %add3A_163 = arith.addi %add3A_90, %add3A_162 : i32
        %dma_start3A_164 = arith.constant 0 : i32
        %dma_start3A_165 = tpu.memref_slice %arg5[%add3A_163, %dma_start3A_164] : memref<128x56xi32, #tpu.memory_space<vmem>> -> memref<1x56xi32, #tpu.memory_space<vmem>>
        %dma_start3A_166 = tpu.memref_squeeze %dma_start3A_165 : memref<1x56xi32, #tpu.memory_space<vmem>> -> memref<56xi32, #tpu.memory_space<vmem>>
        %dma_start3A_167 = arith.constant 0 : i32
        %dma_start3A_168 = arith.constant 0 : i32
        %dma_start3A_169 = tpu.memref_slice %arg3[%dma_start3A_167, %dma_start3A_168] : memref<100000x384xf32, #tpu.memory_space<hbm>> -> memref<100000x384xf32, #tpu.memory_space<hbm>>
        tpu.enqueue_indirect_dma source(%dma_start3A_169 : memref<100000x384xf32, #tpu.memory_space<hbm>>) target(%arg7 : memref<56x384xf32, #tpu.memory_space<vmem>>) offsets(%dma_start3A_166 : memref<56xi32, #tpu.memory_space<vmem>>) semaphore(%arg11 : memref<!tpu.dma_semaphore, #tpu.memory_space<semaphore_mem>>)
      } else {
      }
      %add3A_111 = arith.constant 2 : i32
      %add3A_112 = arith.addi %add3A_69, %add3A_111 : i32
      %dma_wait3A_113 = arith.constant 0 : i32
      %dma_wait3A_114 = tpu.memref_slice %arg5[%add3A_112, %dma_wait3A_113] : memref<128x56xi32, #tpu.memory_space<vmem>> -> memref<1x56xi32, #tpu.memory_space<vmem>>
      %dma_wait3A_115 = tpu.memref_squeeze %dma_wait3A_114 : memref<1x56xi32, #tpu.memory_space<vmem>> -> memref<56xi32, #tpu.memory_space<vmem>>
      %dma_wait3A_116 = arith.constant 0 : i32
      %dma_wait3A_117 = arith.constant 0 : i32
      %dma_wait3A_118 = tpu.memref_slice %arg3[%dma_wait3A_116, %dma_wait3A_117] : memref<100000x384xf32, #tpu.memory_space<hbm>> -> memref<100000x384xf32, #tpu.memory_space<hbm>>
      tpu.wait_indirect_dma semaphore(%arg12 : memref<!tpu.dma_semaphore, #tpu.memory_space<semaphore_mem>>) src(%dma_wait3A_118 : memref<100000x384xf32, #tpu.memory_space<hbm>>) dst(%arg8 : memref<56x384xf32, #tpu.memory_space<vmem>>)
      %add3A_119 = arith.addi %mul3A_2, %add3A_112 : i32
      %mul3A_120 = arith.constant 56 : i32
      %mul3A_121 = arith.muli %add3A_119, %mul3A_120 : i32
      %dma_start3A_122 = arith.constant 0 : i32
      %dma_start3A_123 = tpu.memref_slice %arg4[%mul3A_121, %dma_start3A_122] : memref<229376x384xf32, #tpu.memory_space<hbm>> -> memref<56x384xf32, #tpu.memory_space<hbm>>
      %dma_start3A_124 = arith.constant 0 : i32
      %dma_start3A_125 = tpu.memref_slice %arg4[%mul3A_121, %dma_start3A_124] : memref<229376x384xf32, #tpu.memory_space<hbm>> -> memref<56x384xf32, #tpu.memory_space<hbm>>
      tpu.enqueue_dma source(%arg8 : memref<56x384xf32, #tpu.memory_space<vmem>>) target(%dma_start3A_125 : memref<56x384xf32, #tpu.memory_space<hbm>>) target_semaphore(%arg16 : memref<!tpu.dma_semaphore, #tpu.memory_space<semaphore_mem>>)
      %add3A_126 = arith.constant 4 : i32
      %add3A_127 = arith.addi %add3A_112, %add3A_126 : i32
      %lt3A_128 = arith.constant 128 : i32
      %lt3A_129 = arith.cmpi slt, %add3A_127, %lt3A_128 : i32
      %convert_element_type3A_130 = arith.extui %lt3A_129 : i1 to i32
      %cond3A_131 = arith.constant 0 : i32
      %cond3A_132 = arith.cmpi ne, %convert_element_type3A_130, %cond3A_131 : i32
      scf.if %cond3A_132 {
        %add3A_155 = arith.addi %mul3A_2, %add3A_112 : i32
        %mul3A_156 = arith.constant 56 : i32
        %mul3A_157 = arith.muli %add3A_155, %mul3A_156 : i32
        %dma_wait3A_158 = arith.constant 0 : i32
        %dma_wait3A_159 = tpu.memref_slice %arg4[%mul3A_157, %dma_wait3A_158] : memref<229376x384xf32, #tpu.memory_space<hbm>> -> memref<56x384xf32, #tpu.memory_space<hbm>>
        %dma_wait3A_160 = arith.constant 0 : i32
        %dma_wait3A_161 = tpu.memref_slice %arg4[%mul3A_157, %dma_wait3A_160] : memref<229376x384xf32, #tpu.memory_space<hbm>> -> memref<56x384xf32, #tpu.memory_space<hbm>>
        tpu.wait_dma2 semaphore(%arg16 : memref<!tpu.dma_semaphore, #tpu.memory_space<semaphore_mem>>) src(%arg8 : memref<56x384xf32, #tpu.memory_space<vmem>>) dst(%dma_wait3A_161 : memref<56x384xf32, #tpu.memory_space<hbm>>)
        %add3A_162 = arith.constant 4 : i32
        %add3A_163 = arith.addi %add3A_112, %add3A_162 : i32
        %dma_start3A_164 = arith.constant 0 : i32
        %dma_start3A_165 = tpu.memref_slice %arg5[%add3A_163, %dma_start3A_164] : memref<128x56xi32, #tpu.memory_space<vmem>> -> memref<1x56xi32, #tpu.memory_space<vmem>>
        %dma_start3A_166 = tpu.memref_squeeze %dma_start3A_165 : memref<1x56xi32, #tpu.memory_space<vmem>> -> memref<56xi32, #tpu.memory_space<vmem>>
        %dma_start3A_167 = arith.constant 0 : i32
        %dma_start3A_168 = arith.constant 0 : i32
        %dma_start3A_169 = tpu.memref_slice %arg3[%dma_start3A_167, %dma_start3A_168] : memref<100000x384xf32, #tpu.memory_space<hbm>> -> memref<100000x384xf32, #tpu.memory_space<hbm>>
        tpu.enqueue_indirect_dma source(%dma_start3A_169 : memref<100000x384xf32, #tpu.memory_space<hbm>>) target(%arg8 : memref<56x384xf32, #tpu.memory_space<vmem>>) offsets(%dma_start3A_166 : memref<56xi32, #tpu.memory_space<vmem>>) semaphore(%arg12 : memref<!tpu.dma_semaphore, #tpu.memory_space<semaphore_mem>>)
      } else {
      }
      %add3A_133 = arith.constant 3 : i32
      %add3A_134 = arith.addi %add3A_69, %add3A_133 : i32
      %dma_wait3A_135 = arith.constant 0 : i32
      %dma_wait3A_136 = tpu.memref_slice %arg5[%add3A_134, %dma_wait3A_135] : memref<128x56xi32, #tpu.memory_space<vmem>> -> memref<1x56xi32, #tpu.memory_space<vmem>>
      %dma_wait3A_137 = tpu.memref_squeeze %dma_wait3A_136 : memref<1x56xi32, #tpu.memory_space<vmem>> -> memref<56xi32, #tpu.memory_space<vmem>>
      %dma_wait3A_138 = arith.constant 0 : i32
      %dma_wait3A_139 = arith.constant 0 : i32
      %dma_wait3A_140 = tpu.memref_slice %arg3[%dma_wait3A_138, %dma_wait3A_139] : memref<100000x384xf32, #tpu.memory_space<hbm>> -> memref<100000x384xf32, #tpu.memory_space<hbm>>
      tpu.wait_indirect_dma semaphore(%arg13 : memref<!tpu.dma_semaphore, #tpu.memory_space<semaphore_mem>>) src(%dma_wait3A_140 : memref<100000x384xf32, #tpu.memory_space<hbm>>) dst(%arg9 : memref<56x384xf32, #tpu.memory_space<vmem>>)
      %add3A_141 = arith.addi %mul3A_2, %add3A_134 : i32
      %mul3A_142 = arith.constant 56 : i32
      %mul3A_143 = arith.muli %add3A_141, %mul3A_142 : i32
      %dma_start3A_144 = arith.constant 0 : i32
      %dma_start3A_145 = tpu.memref_slice %arg4[%mul3A_143, %dma_start3A_144] : memref<229376x384xf32, #tpu.memory_space<hbm>> -> memref<56x384xf32, #tpu.memory_space<hbm>>
      %dma_start3A_146 = arith.constant 0 : i32
      %dma_start3A_147 = tpu.memref_slice %arg4[%mul3A_143, %dma_start3A_146] : memref<229376x384xf32, #tpu.memory_space<hbm>> -> memref<56x384xf32, #tpu.memory_space<hbm>>
      tpu.enqueue_dma source(%arg9 : memref<56x384xf32, #tpu.memory_space<vmem>>) target(%dma_start3A_147 : memref<56x384xf32, #tpu.memory_space<hbm>>) target_semaphore(%arg17 : memref<!tpu.dma_semaphore, #tpu.memory_space<semaphore_mem>>)
      %add3A_148 = arith.constant 4 : i32
      %add3A_149 = arith.addi %add3A_134, %add3A_148 : i32
      %lt3A_150 = arith.constant 128 : i32
      %lt3A_151 = arith.cmpi slt, %add3A_149, %lt3A_150 : i32
      %convert_element_type3A_152 = arith.extui %lt3A_151 : i1 to i32
      %cond3A_153 = arith.constant 0 : i32
      %cond3A_154 = arith.cmpi ne, %convert_element_type3A_152, %cond3A_153 : i32
      scf.if %cond3A_154 {
        %add3A_155 = arith.addi %mul3A_2, %add3A_134 : i32
        %mul3A_156 = arith.constant 56 : i32
        %mul3A_157 = arith.muli %add3A_155, %mul3A_156 : i32
        %dma_wait3A_158 = arith.constant 0 : i32
        %dma_wait3A_159 = tpu.memref_slice %arg4[%mul3A_157, %dma_wait3A_158] : memref<229376x384xf32, #tpu.memory_space<hbm>> -> memref<56x384xf32, #tpu.memory_space<hbm>>
        %dma_wait3A_160 = arith.constant 0 : i32
        %dma_wait3A_161 = tpu.memref_slice %arg4[%mul3A_157, %dma_wait3A_160] : memref<229376x384xf32, #tpu.memory_space<hbm>> -> memref<56x384xf32, #tpu.memory_space<hbm>>
        tpu.wait_dma2 semaphore(%arg17 : memref<!tpu.dma_semaphore, #tpu.memory_space<semaphore_mem>>) src(%arg9 : memref<56x384xf32, #tpu.memory_space<vmem>>) dst(%dma_wait3A_161 : memref<56x384xf32, #tpu.memory_space<hbm>>)
        %add3A_162 = arith.constant 4 : i32
        %add3A_163 = arith.addi %add3A_134, %add3A_162 : i32
        %dma_start3A_164 = arith.constant 0 : i32
        %dma_start3A_165 = tpu.memref_slice %arg5[%add3A_163, %dma_start3A_164] : memref<128x56xi32, #tpu.memory_space<vmem>> -> memref<1x56xi32, #tpu.memory_space<vmem>>
        %dma_start3A_166 = tpu.memref_squeeze %dma_start3A_165 : memref<1x56xi32, #tpu.memory_space<vmem>> -> memref<56xi32, #tpu.memory_space<vmem>>
        %dma_start3A_167 = arith.constant 0 : i32
        %dma_start3A_168 = arith.constant 0 : i32
        %dma_start3A_169 = tpu.memref_slice %arg3[%dma_start3A_167, %dma_start3A_168] : memref<100000x384xf32, #tpu.memory_space<hbm>> -> memref<100000x384xf32, #tpu.memory_space<hbm>>
        tpu.enqueue_indirect_dma source(%dma_start3A_169 : memref<100000x384xf32, #tpu.memory_space<hbm>>) target(%arg9 : memref<56x384xf32, #tpu.memory_space<vmem>>) offsets(%dma_start3A_166 : memref<56xi32, #tpu.memory_space<vmem>>) semaphore(%arg13 : memref<!tpu.dma_semaphore, #tpu.memory_space<semaphore_mem>>)
      } else {
      }
    }
    %scan3A_33 = arith.constant 32 : i32
    %add3A_34 = arith.constant 124 : i32
    %add3A_35 = arith.addi %mul3A_2, %add3A_34 : i32
    %mul3A_36 = arith.constant 56 : i32
    %mul3A_37 = arith.muli %add3A_35, %mul3A_36 : i32
    %dma_wait3A = arith.constant 0 : i32
    %dma_wait3A_38 = tpu.memref_slice %arg4[%mul3A_37, %dma_wait3A] : memref<229376x384xf32, #tpu.memory_space<hbm>> -> memref<56x384xf32, #tpu.memory_space<hbm>>
    %dma_wait3A_39 = arith.constant 0 : i32
    %dma_wait3A_40 = tpu.memref_slice %arg4[%mul3A_37, %dma_wait3A_39] : memref<229376x384xf32, #tpu.memory_space<hbm>> -> memref<56x384xf32, #tpu.memory_space<hbm>>
    tpu.wait_dma2 semaphore(%arg14 : memref<!tpu.dma_semaphore, #tpu.memory_space<semaphore_mem>>) src(%arg6 : memref<56x384xf32, #tpu.memory_space<vmem>>) dst(%dma_wait3A_40 : memref<56x384xf32, #tpu.memory_space<hbm>>)
    %add3A_41 = arith.constant 125 : i32
    %add3A_42 = arith.addi %mul3A_2, %add3A_41 : i32
    %mul3A_43 = arith.constant 56 : i32
    %mul3A_44 = arith.muli %add3A_42, %mul3A_43 : i32
    %dma_wait3A_45 = arith.constant 0 : i32
    %dma_wait3A_46 = tpu.memref_slice %arg4[%mul3A_44, %dma_wait3A_45] : memref<229376x384xf32, #tpu.memory_space<hbm>> -> memref<56x384xf32, #tpu.memory_space<hbm>>
    %dma_wait3A_47 = arith.constant 0 : i32
    %dma_wait3A_48 = tpu.memref_slice %arg4[%mul3A_44, %dma_wait3A_47] : memref<229376x384xf32, #tpu.memory_space<hbm>> -> memref<56x384xf32, #tpu.memory_space<hbm>>
    tpu.wait_dma2 semaphore(%arg15 : memref<!tpu.dma_semaphore, #tpu.memory_space<semaphore_mem>>) src(%arg7 : memref<56x384xf32, #tpu.memory_space<vmem>>) dst(%dma_wait3A_48 : memref<56x384xf32, #tpu.memory_space<hbm>>)
    %add3A_49 = arith.constant 126 : i32
    %add3A_50 = arith.addi %mul3A_2, %add3A_49 : i32
    %mul3A_51 = arith.constant 56 : i32
    %mul3A_52 = arith.muli %add3A_50, %mul3A_51 : i32
    %dma_wait3A_53 = arith.constant 0 : i32
    %dma_wait3A_54 = tpu.memref_slice %arg4[%mul3A_52, %dma_wait3A_53] : memref<229376x384xf32, #tpu.memory_space<hbm>> -> memref<56x384xf32, #tpu.memory_space<hbm>>
    %dma_wait3A_55 = arith.constant 0 : i32
    %dma_wait3A_56 = tpu.memref_slice %arg4[%mul3A_52, %dma_wait3A_55] : memref<229376x384xf32, #tpu.memory_space<hbm>> -> memref<56x384xf32, #tpu.memory_space<hbm>>
    tpu.wait_dma2 semaphore(%arg16 : memref<!tpu.dma_semaphore, #tpu.memory_space<semaphore_mem>>) src(%arg8 : memref<56x384xf32, #tpu.memory_space<vmem>>) dst(%dma_wait3A_56 : memref<56x384xf32, #tpu.memory_space<hbm>>)
    %add3A_57 = arith.constant 127 : i32
    %add3A_58 = arith.addi %mul3A_2, %add3A_57 : i32
    %mul3A_59 = arith.constant 56 : i32
    %mul3A_60 = arith.muli %add3A_58, %mul3A_59 : i32
    %dma_wait3A_61 = arith.constant 0 : i32
    %dma_wait3A_62 = tpu.memref_slice %arg4[%mul3A_60, %dma_wait3A_61] : memref<229376x384xf32, #tpu.memory_space<hbm>> -> memref<56x384xf32, #tpu.memory_space<hbm>>
    %dma_wait3A_63 = arith.constant 0 : i32
    %dma_wait3A_64 = tpu.memref_slice %arg4[%mul3A_60, %dma_wait3A_63] : memref<229376x384xf32, #tpu.memory_space<hbm>> -> memref<56x384xf32, #tpu.memory_space<hbm>>
    tpu.wait_dma2 semaphore(%arg17 : memref<!tpu.dma_semaphore, #tpu.memory_space<semaphore_mem>>) src(%arg9 : memref<56x384xf32, #tpu.memory_space<vmem>>) dst(%dma_wait3A_64 : memref<56x384xf32, #tpu.memory_space<hbm>>)
    return
  }
}

module attributes {stable_mosaic.version = 14 : i64} {
  func.func @body(%arg0: i32, %arg1: memref<2000x300xf32, #tpu.memory_space<vmem>>, %arg2: memref<2000x384xf32, #tpu.memory_space<vmem>>) attributes {dimension_semantics = [#tpu.dimension_semantics<arbitrary>], iteration_bounds = array<i64: 50>, scalar_prefetch = 0 : i64, scratch_operands = 0 : i64, tpu.core_type = #tpu.core_type<tc>, window_params = [{transform_indices = @transform_0, window_bounds = array<i64: 2000, 300>}, {transform_indices = @transform_1, window_bounds = array<i64: 2000, 384>}]} {
    %get3A = arith.constant 0 : index
    %get3A_0 = arith.constant 0 : index
    %get3A_1 = vector.load %arg1[%get3A, %get3A_0] : memref<2000x300xf32, #tpu.memory_space<vmem>>, vector<2000x300xf32>
    %swap3A = arith.constant 0 : index
    %swap3A_2 = arith.constant 0 : index
    %swap3A_3 = vector.load %arg2[%swap3A, %swap3A_2] : memref<2000x384xf32, #tpu.memory_space<vmem>>, vector<2000x300xf32>
    tpu.vector_store %arg2[%swap3A, %swap3A_2], %get3A_1 {strides = array<i32>} : memref<2000x384xf32, #tpu.memory_space<vmem>>, vector<2000x300xf32>,
    return
  }
  func.func @transform_0(%arg0: i32) -> (i32, i32) {
    %c0_i32 = arith.constant 0 : i32
    %c0_i32_0 = arith.constant 0 : i32
    return %arg0, %c0_i32 : i32, i32
  }
  func.func @transform_1(%arg0: i32) -> (i32, i32) {
    %c0_i32 = arith.constant 0 : i32
    %c0_i32_0 = arith.constant 0 : i32
    return %arg0, %c0_i32 : i32, i32
  }
}

</mosaic_0001>

<sc_bundles>
// kernel: kernel.4.cloned.1.call-start
scs
__scs_entry_jumppad:
0x0: {  	(pc) =	sbr.rel $0x88, $3  }
0x1: {  	(tag) =	ssettag $0x0;
	lr =	simm.s32 $0x1  }
0x2: {  	[smem:$0x3F9F] =	sst lr;
	_ =	strace $0xD0000000  }
0x3: {  	_ = 	snop  }
0x4: {  	_ = 	snop  }
0x5: {  	_ = 	snop  }
0x6: {  	_ = 	snop  }
0x7: {  	_ = 	snop  }
__scs_overlays_trampoline_lowered:
0x8: {  	[smem:$0x3FAE] =	sst s0  }
0x9: {  	[smem:$0x3FAF] =	sst s1  }
0xa: {  	[smem:$0x3FB0] =	sst s2  }
0xb: {  	[smem:$0x3FB1] =	sst s3  }
0xc: {  	[smem:$0x3FB2] =	sst s4  }
0xd: {  	[smem:$0x3FB3] =	sst s5  }
0xe: {  	[smem:$0x3FB4] =	sst s6  }
0xf: {  	[smem:$0x3FB5] =	sst s7  }
0x10: {  	[smem:$0x3FB6] =	sst s8  }
0x11: {  	[smem:$0x3FB7] =	sst s9;
	s0 =	simm.s32 @!p0 $0x0  }
0x12: {  	s1 =	sld [smem:$0x3F9D];
	s0 =	simm.s32 @p0 $0x1  }
0x13: {  	[smem:$0x3FB8] =	sst s0;
	s0 =	simm.s32 @!p1 $0x0  }
0x14: {  	s2 =	sld [smem:$0x3F9C];
	s0 =	simm.s32 @p1 $0x1  }
0x15: {  	[smem:$0x3FB9] =	sst s0;
	s0 =	simm.s32 @!p2 $0x0  }
0x16: {  	s3 =	sld [smem:$0x3FDB];
	s0 =	simm.s32 @p2 $0x1  }
0x17: {  	s4 =	simm.s32 $0x1BF5;
	[smem:$0x3FBB] =	sst s0  }
0x18: {  	s0 =	sld [smem:$0x3F9E];
	_ =	swait.ge [sflag:s4], $0x0  }
0x19: {  	s7 =	sld [smem:$0x3F9F]  }
0x1a: {  	s8 =	sadd.s32 $0xFFFFE003, lr  }
0x1b: {  	s9 =	sadd.s32 $0xFFFFFEF7, lr;
	s5 =	simm.s32 $0xFFFFFFFF;
	p2 =	slt.u32 s8, $0xFFFFF086  }
0x1c: {  	p1 =	slt.u32 s9, $0xF7A;
	s5 =	simm.s32 @!p2 $0x0  }
0x1d: {  	s5 =	simm.s32 @p1 $0x1;
	p0 =	seq.s32 s7, s2  }
0x1e: {  	s7 =	smul.u32 @!p0 $0xF7A, s2;
	p2 =	seq.s32 @!p0 s5, $0x0  }
0x1f: {  	s9 =	smul.u32 $0xF7A, s1;
	s8 =	simm.s32 @!p0 $0x1BF5;
	p2 =	por !p2, p0  }
0x20: {  	[sflag:s8] =	ssyncset.s32 @!p0 $0xFFFFF086;
	s6 =	sadd.s32 @!p0 s3, s7;
	s7 =	simm.s32 @!p0 $0x108  }
0x21: {  	s3 =	sadd.s32 s3, s9;
	s6 =	sadd.s32 @!p0 $0x88, s6;
	s7 =	simm.s32 @p2 $0x1082  }
0x22: {  	[simem:s7], [sflag:s8] =	dma.local @!p0 [hbm:s6], $0xF7A  }
0x23: {  	s9 =	sor.u32 $0xD0000000, s2;
	s6 =	simm.s32 $0x108;
	_ =	swait.ge @!p0 [sflag:s8], $0x0  }
0x24: {  	s3 =	sadd.s32 $0x88, s3;
	s6 =	simm.s32 @!p1 $0x1082;
	[sflag:s4] =	ssyncset.s32 $0xFFFFF086  }
0x25: {  	[simem:s6], [sflag:s4] =	dma.local [hbm:s3], $0xF7A  }
0x26: {  	[smem:$0x3F9F] =	sst s1;
	(tag) =	ssettag s2;
	_ =	strace s9  }
0x27: {  	s1 =	sld [smem:$0x3FAF]  }
0x28: {  	s2 =	sld [smem:$0x3FB0]  }
0x29: {  	s4 =	sld [smem:$0x3FB2]  }
0x2a: {  	p0 =	seq.s32 s5, $0x0;
	s5 =	sld [smem:$0x3FB3]  }
0x2b: {  	s6 =	sld [smem:$0x3FB4]  }
0x2c: {  	s7 =	sld [smem:$0x3FB5]  }
0x2d: {  	s3 =	simm.s32 $0x108;
	s8 =	sld [smem:$0x3FB6]  }
0x2e: {  	s3 =	simm.s32 @!p0 $0x1082;
	s9 =	sld [smem:$0x3FB7]  }
0x2f: {  	lr =	sadd.s32 s0, s3;
	s0 =	sld [smem:$0x3FAE]  }
0x30: {  	s3 =	sld [smem:$0x3FB1]  }
0x31: {  	[smem:$0x3FBA] =	sst s10  }
0x32: {  	s10 =	sld [smem:$0x3FB8];
	_ =	sdelay $0x3  }
0x33: {  	p0 =	seq.s32 s10, $0x1;
	s10 =	sld [smem:$0x3FBA];
	_ =	sdelay $0x3  }
0x34: {  	[smem:$0x3FBA] =	sst s10  }
0x35: {  	s10 =	sld [smem:$0x3FB9];
	_ =	sdelay $0x3  }
0x36: {  	p1 =	seq.s32 s10, $0x1;
	s10 =	sld [smem:$0x3FBA];
	_ =	sdelay $0x3  }
0x37: {  	[smem:$0x3FBA] =	sst s10  }
0x38: {  	s10 =	sld [smem:$0x3FBB]  }
0x39: {  	_ = 	snop;
	(pc) =	sbr.ind lr, $3  }
0x3a: {  	_ = 	snop  }
0x3b: {  	_ = 	snop  }
0x3c: {  	p2 =	seq.s32 s10, $0x1;
	s10 =	sld [smem:$0x3FBA]  }
0x3d: {  	_ =	shalt  }
0x3e: {  	_ =	shalt  }
0x3f: {  	_ =	shalt  }
0x40: {  	_ =	shalt  }
0x41: {  	_ =	shalt  }
0x42: {  	_ =	shalt  }
0x43: {  	_ =	shalt  }
0x44: {  	_ =	shalt  }
0x45: {  	_ =	shalt  }
0x46: {  	_ =	shalt  }
0x47: {  	_ =	shalt  }
0x48: {  	_ =	shalt  }
0x49: {  	_ =	shalt  }
0x4a: {  	_ =	shalt  }
0x4b: {  	_ =	shalt  }
0x4c: {  	_ =	shalt  }
0x4d: {  	_ =	shalt  }
0x4e: {  	_ =	shalt  }
0x4f: {  	_ =	shalt  }
0x50: {  	_ =	shalt  }
0x51: {  	_ =	shalt  }
0x52: {  	_ =	shalt  }
0x53: {  	_ =	shalt  }
0x54: {  	_ =	shalt  }
0x55: {  	_ =	shalt  }
0x56: {  	_ =	shalt  }
0x57: {  	_ =	shalt  }
0x58: {  	_ =	shalt  }
0x59: {  	_ =	shalt  }
0x5a: {  	_ =	shalt  }
0x5b: {  	_ =	shalt  }
0x5c: {  	_ =	shalt  }
0x5d: {  	_ =	shalt  }
0x5e: {  	_ =	shalt  }
0x5f: {  	_ =	shalt  }
0x60: {  	_ =	shalt  }
0x61: {  	_ =	shalt  }
0x62: {  	_ =	shalt  }
0x63: {  	_ =	shalt  }
0x64: {  	_ =	shalt  }
0x65: {  	_ =	shalt  }
0x66: {  	_ =	shalt  }
0x67: {  	_ =	shalt  }
0x68: {  	_ =	shalt  }
0x69: {  	_ =	shalt  }
0x6a: {  	_ =	shalt  }
0x6b: {  	_ =	shalt  }
0x6c: {  	_ =	shalt  }
0x6d: {  	_ =	shalt  }
0x6e: {  	_ =	shalt  }
0x6f: {  	_ =	shalt  }
0x70: {  	_ =	shalt  }
0x71: {  	_ =	shalt  }
0x72: {  	_ =	shalt  }
0x73: {  	_ =	shalt  }
0x74: {  	_ =	shalt  }
0x75: {  	_ =	shalt  }
0x76: {  	_ =	shalt  }
0x77: {  	_ =	shalt  }
0x78: {  	_ =	shalt  }
0x79: {  	_ =	shalt  }
0x7a: {  	_ =	shalt  }
0x7b: {  	_ =	shalt  }
0x7c: {  	_ =	shalt  }
0x7d: {  	_ =	shalt  }
0x7e: {  	_ =	shalt  }
0x7f: {  	_ =	shalt  }
0x80: {  	_ =	shalt  }
0x81: {  	_ =	shalt  }
0x82: {  	_ =	shalt  }
0x83: {  	_ =	shalt  }
0x84: {  	_ =	shalt  }
0x85: {  	_ =	shalt  }
0x86: {  	_ =	shalt  }
0x87: {  	_ =	shalt  }
.Lfunc_end0:
.L_simem_size_0:
called_computation.1_lowered:
.L_overlay_start_0:
0x88: {  	s2 =	sld [smem:$0x3FD9]  }
0x89: {  	s3 =	sld [smem:$0x3FFE];
	_ =	sdelay $0x1  }
0x8a: {  	s1 =	srdreg.scid  }
0x8b: {  	s0 =	sand.u32 $0x1, s1  }
0x8c: {  	s16 =	sshll.u32 s0, $0xA;
	s2 =	sadd.s32 s3, s2  }
0x8d: {  	s2 =	sadd.s32 s2, s16  }
0x8e: {  	[smem:$0x3FC6] =	sst s2  }
0x8f: {  	_ = 	snop  }
0x90: {  	(tm) =	ssettm $0x1  }
0x91: {  	s17 =	sld [smem:$0x3FFB];
	_ =	sdelay $0x3  }
0x92: {  	_ =	strace s17  }
0x93: {  	s2 =	sld [smem:$0x3FFC];
	_ =	sdelay $0x3  }
0x94: {  	_ =	strace s2  }
0x95: {  	s2 =	sld [smem:$0x3FFD];
	_ =	sdelay $0x3  }
0x96: {  	_ =	strace s2  }
0x97: {  	_ =	strace $0x8FFFFFFF  }
0x98: {  	s18 =	sld [smem:$0x3FDB];
	_ =	sdelay $0x1  }
0x99: {  	s19 =	simm.s32 $_scs_section_size  }
0x9a: {  	s4 =	simm.s32 $_size__tile_overlayer_lowered;
	s5 =	simm.s32 $_tile_overlayer_lowered  }
0x9b: {  	s22 =	simm.s32 $0x1BFF;
	s21 =	sshll.u32 s5, $0x1;
	s2 =	sadd.s32 s19, s18  }
0x9c: {  	s6 =	simm.s32 $0x0;
	s20 =	sshll.u32 s4, $0x1;
	s4 =	sadd.s32 s21, s2  }
0x9d: {  	[timem:s6], [sflag:s22] =	dma.local [hbm:s4], s20  }
0x9e: {  	_ =	swait.ge [sflag:s22], s20  }
0x9f: {  	s3 =	ssub.s32 $0x0, s20;
	[sflag:s22] =	ssyncset.done $0x0  }
0xa0: {  	[sflag:s22] =	ssyncadd.s32 s3;
	_ =	sdelay $0x1  }
0xa1: {  	s23 =	simm.s32 $0x1B8B  }
0xa2: {  	_ =	swait.ge [sflag:s23], $0x1  }
0xa3: {  	[sflag:s23] =	ssyncset.done $0x0  }
0xa4: {  	s25 =	simm.s32 $0x1B8E;
	s24 =	sld [smem:$0x3FFE];
	[sflag:s23] =	ssyncadd.s32 $0xFFFFFFFF  }
0xa5: {  	s26 =	simm.s32 $execute0_lowered;
	[smem:$0x3FD2] =	sst s25  }
0xa6: {  	s4 =	sshll.u32 s26, $0x1;
	_ =	strace $0x80000046;
	[dreg:$0x1] =	wrdreg $0xFFFFFFFF  }
0xa7: {  	s28 =	simm.s32 $_size_execute0_lowered;
	s2 =	sadd.s32 s2, s4;
	[dreg:$0x0] =	wrdreg $0x0  }
0xa8: {  	s4 =	sshll.u32 s28, $0x1;
	[dreg:$0x2] =	wrdreg s2  }
0xa9: {  	[dreg:$0x3] =	wrdreg s4  }
0xaa: {  	[dreg:$0x4] =	wrdreg $0xC0  }
0xab: {  	_ =	task [dreg:s6], $0x5FFFF  }
0xac: {  	[dreg:$0x1] =	wrdreg $0xFFFFFFFF  }
0xad: {  	[dreg:$0x0] =	wrdreg $0x60  }
0xae: {  	[dreg:$0x2] =	wrdreg s24  }
0xaf: {  	[dreg:$0x3] =	wrdreg $0x9  }
0xb0: {  	_ =	task.clear_ibuf [dreg:s6], $0x4FFFF;
	_ =	strace $0x90000046  }
0xb1: {  	s29 =	simm.s32 $0x9;
	_ =	strace $0x80000048  }
0xb2: {  	_ =	swait.ge [sflag:s29], $0x1  }
0xb3: {  	[sflag:s29] =	ssyncadd.s32 $0xFFFFFFFF  }
0xb4: {  	_ =	strace $0x90000048  }
0xb5: {  	_ =	sfence  }
0xb6: {  	s30 =	sld [smem:$0x0];
	_ =	sdelay $0x2  }
0xb7: {  	s31 =	sshll.u32 s1, $0xD;
	s1 =	sshrl.u32 s1, $0x2  }
0xb8: {  	s3 =	sand.u32 $0x4000, s31;
	s1 =	sadd.s32 s1, s30  }
0xb9: {  	s0 =	sor.u32 s3, s0;
	s1 =	sshll.u32 s1, $0x11  }
0xba: {  	s0 =	sor.u32 s1, s0  }
0xbb: {  	s0 =	sadd.s32 $0x8F2B, s0  }
0xbc: {  	[sflag:s0] =	ssyncadd.remote.s32 $0x1  }
0xbd: {  	_ =	sfence.sel $0xFFFF  }
0xbe: {  	[dreg:$0x0] =	wrdreg $0xFFFFFFFF;
	(pc) =	sbr.abs _section_cstart, $3  }
0xbf: {  	[dreg:$0x1] =	wrdreg $0xFFFFFFFF  }
0xc0: {  	_ =	task.clear_ibuf [dreg:s6], $0x2FFFF;
	_ =	strace $0x9FFFFFFF  }
0xc1: {  	(tm) =	ssettm $0x7FFFFFFF  }
tec
execute0_lowered:
.L_overlay_start_1:
0x0: {  	(tag) =	ssettag $0x1  }
0x1: {  	s0 =	rddreg [dreg:$0x0];
	s1 =	srdreg.scid  }
0x2: {  	s2 =	simm.s32 $0x0;
	s5 =	stileid.u32;
	s9 =	simm.s32 $0x4000  }
0x3: {  	s23 =	simm.s32 $0x9400;
	s11 =	simm.s32 $0xE800;
	s30 =	simm.s32 $0x15000  }
0x4: {  	s31 =	simm.s32 $0x15400;
	s8 =	simm.s32 $0x17400;
	s10 =	simm.s32 $0x17800  }
0x5: {  	s12 =	simm.s32 $0x18000;
	s13 =	simm.s32 $0x18400;
	s14 =	simm.s32 $0x18C00  }
0x6: {  	s15 =	simm.s32 $0x1;
	s16 =	simm.s32 $0x2;
	s17 =	simm.s32 $0x3  }
0x7: {  	s18 =	simm.s32 $0x4;
	s19 =	simm.s32 $0x5;
	s20 =	simm.s32 $0x6  }
0x8: {  	s21 =	simm.s32 $0x7;
	s22 =	simm.s32 $0x8;
	s25 =	simm.s32 $0x0  }
0x9: {  	s1 =	sand.u32 $0x1, s1;
	[smem:$0x7FF] =	sst s2;
	s3 =	sshll.u32 s5, $0xC  }
0xa: {  	s26 =	smul.u32 $0xA8000, s5;
	s4 =	sshll.u32 s1, $0xB;
	_ =	strace $0x80000047  }
0xb: {  	s6 =	ssub.s32 $0x2, s1;
	s1 =	smul.u32 $0x54000, s1;
	s3 =	sor.u32 s4, s3  }
0xc: {  	s4 =	sadd.s32 s26, s0;
	s7 =	sshrl.u32 s6, $0x1;
	s26 =	simm.s32 $0x13C00  }
.Ltmp0:
0xd: {  	s28 =	sadd.s32 s3, s0;
	s3 =	sadd.s32 $0x10400, s0;
	(pc) =	sbr.rel .LBB2_1-.Ltmp0, $4  }
0xe: {  	s6 =	ssub.s32 s6, s7;
	s1 =	sadd.s32 s1, s4;
	s4 =	simm.s32 $0x16800  }
0xf: {  	v2 =	vlaneseq.u32;
	s5 =	sadd.s32 $0x400, s28;
	s29 =	smax.u32 s6, $0x1;
	s7 =	sadd.s32 $0x4A4200, s1  }
0x10: {  	vm0 =	vmmov $0xffff;
	vm1 =	vmmov $0xff;
	v1 =	vshrl.u32 v2, $0x3;
	s1 =	simm.s32 $0x16000;
	s6 =	simm.s32 $0x16C00;
	[dreg:$0x2] =	wrdreg s5  }
0x11: {  	v0 =	vand.u32 $0x7, v2;
	v2 =	vor.u32 $0x8, v2;
	v1 =	vmul.u32 $0x8, v1;
	s5 =	sadd.s32 $0x10500, s0;
	[dreg:$0x3] =	wrdreg s29;
	s0 =	simm.s32 $0x15C00  }
.LBB2_10:
0x12: {  	_ =	swait.ge [sflag:s19], $0x5400  }
0x13: {  	[sflag:s19] =	ssyncset.done $0x0  }
0x14: {  	[sflag:s19] =	ssyncadd.s32 $0xFFFFAC00  }
0x15: {  	_ =	swait.ge [sflag:s20], $0x5400  }
0x16: {  	[sflag:s20] =	ssyncset.done $0x0  }
0x17: {  	[sflag:s20] =	ssyncadd.s32 $0xFFFFAC00  }
0x18: {  	_ =	swait.ge [sflag:s21], $0x5400  }
0x19: {  	[sflag:s21] =	ssyncset.done $0x0  }
0x1a: {  	[sflag:s21] =	ssyncadd.s32 $0xFFFFAC00  }
0x1b: {  	_ =	swait.ge [sflag:s22], $0x5400  }
0x1c: {  	s25 =	rddreg [dreg:$0x4]  }
0x1d: {  	s24 =	rddreg [dreg:$0x3];
	s25 =	sadd.s32 $0x1, s25  }
0x1e: {  	p0 =	sne.s32 s25, s24  }
.Ltmp1:
0x1f: {  	_ = 	snop;
	(pc) =	sbr.rel @!p0 .LBB2_11-.Ltmp1, $3  }
0x20: {  	_ =	sdelay $0x1  }
0x21: {  	[sflag:s22] =	ssyncset.done $0x0  }
0x22: {  	[sflag:s22] =	ssyncadd.s32 $0xFFFFAC00  }
.LBB2_1:
0x23: {  	[dreg:$0x4] =	wrdreg s25  }
0x24: {  	s24 =	rddreg [dreg:$0x2];
	s25 =	simm.s32 $0x9  }
0x25: {  	[tilespmem:s2], [sflag:$0x9] =	stream.linear.gather [hbm4b:s24+s2], $0x4000, $0x38;
	[tilespmem:$0x19000] =	vst v63  }
0x26: {  	_ =	swait.ge [sflag:s25], $0x4000  }
0x27: {  	[sflag:s25] =	ssyncset.done $0x0  }
0x28: {  	[sflag:s25] =	ssyncadd.s32 $0xFFFFC000  }
0x29: {  	v3 =	vld [tilespmem:$0x0];
	_ =	sdelay $0x4  }
0x2a: {  	v4 =	vshrl.u32 v3, $0x3  }
0x2b: {  	v4 =	vmul.u32 $0x18, v4  }
0x2c: {  	v3 =	vand.u32 $0x7, v3  }
0x2d: {  	v3 =	vor.u32 v3, v4  }
0x2e: {  	v4 =	vperm.xlane v3, v0;
	_ =	sdelay $0x1  }
0x2f: {  	v4 =	vadd.s32 v1, v4;
	_ =	sdelay $0x1  }
0x30: {  	v3 =	vperm.xlane v3, v2;
	_ =	sdelay $0x1  }
0x31: {  	v3 =	vadd.s32 v1, v3  }
0x32: {  	[tilespmem:s9], [sflag:$0x1] =	stream.indirect_vreg.gather [hbm4b:s3+s2], $0x80, v4, vm0, $0xb8;
	[tilespmem:$0x19000] =	vst v63  }
0x33: {  	s28 =	simm.s32 $0x4800  }
0x34: {  	[tilespmem:s28], [sflag:$0x1] =	stream.indirect_vreg.gather [hbm4b:s5+s2], $0x80, v4, vm1, $0xb8;
	[tilespmem:$0x19000] =	vst v63  }
0x35: {  	s29 =	simm.s32 $0x4C00  }
0x36: {  	[tilespmem:s29], [sflag:$0x1] =	stream.indirect_vreg.gather [hbm4b:s3+s2], $0x80, v3, vm0, $0xb8;
	[tilespmem:$0x19000] =	vst v63  }
0x37: {  	s25 =	simm.s32 $0x5400  }
0x38: {  	[tilespmem:s25], [sflag:$0x1] =	stream.indirect_vreg.gather [hbm4b:s5+s2], $0x80, v3, vm1, $0xb8;
	[tilespmem:$0x19000] =	vst v63  }
0x39: {  	v3 =	vld [tilespmem:$0x10];
	_ =	sdelay $0x4  }
0x3a: {  	v49 =	vshrl.u32 v3, $0x3  }
0x3b: {  	v4 =	vmul.u32 $0x18, v49  }
0x3c: {  	v3 =	vand.u32 $0x7, v3  }
0x3d: {  	v3 =	vor.u32 v3, v4  }
0x3e: {  	v4 =	vperm.xlane v3, v0;
	_ =	sdelay $0x1  }
0x3f: {  	v4 =	vadd.s32 v1, v4;
	_ =	sdelay $0x1  }
0x40: {  	v3 =	vperm.xlane v3, v2;
	_ =	sdelay $0x1  }
0x41: {  	s28 =	simm.s32 $0x5800;
	v3 =	vadd.s32 v1, v3  }
0x42: {  	[tilespmem:s28], [sflag:$0x1] =	stream.indirect_vreg.gather [hbm4b:s3+s2], $0x80, v4, vm0, $0xb8;
	[tilespmem:$0x19000] =	vst v63  }
0x43: {  	s29 =	simm.s32 $0x6000  }
0x44: {  	[tilespmem:s29], [sflag:$0x1] =	stream.indirect_vreg.gather [hbm4b:s5+s2], $0x80, v4, vm1, $0xb8;
	[tilespmem:$0x19000] =	vst v63  }
0x45: {  	s25 =	simm.s32 $0x6400  }
0x46: {  	[tilespmem:s25], [sflag:$0x1] =	stream.indirect_vreg.gather [hbm4b:s3+s2], $0x80, v3, vm0, $0xb8;
	[tilespmem:$0x19000] =	vst v63  }
0x47: {  	s28 =	simm.s32 $0x6C00  }
0x48: {  	[tilespmem:s28], [sflag:$0x1] =	stream.indirect_vreg.gather [hbm4b:s5+s2], $0x80, v3, vm1, $0xb8;
	[tilespmem:$0x19000] =	vst v63  }
0x49: {  	v3 =	vld [tilespmem:$0x20];
	_ =	sdelay $0x4  }
0x4a: {  	v50 =	vshrl.u32 v3, $0x3  }
0x4b: {  	v4 =	vmul.u32 $0x18, v50  }
0x4c: {  	v3 =	vand.u32 $0x7, v3  }
0x4d: {  	v3 =	vor.u32 v3, v4  }
0x4e: {  	v4 =	vperm.xlane v3, v0;
	_ =	sdelay $0x1  }
0x4f: {  	v4 =	vadd.s32 v1, v4;
	_ =	sdelay $0x1  }
0x50: {  	v3 =	vperm.xlane v3, v2;
	_ =	sdelay $0x1  }
0x51: {  	s29 =	simm.s32 $0x7000;
	v3 =	vadd.s32 v1, v3  }
0x52: {  	[tilespmem:s29], [sflag:$0x1] =	stream.indirect_vreg.gather [hbm4b:s3+s2], $0x80, v4, vm0, $0xb8;
	[tilespmem:$0x19000] =	vst v63  }
0x53: {  	s25 =	simm.s32 $0x7800  }
0x54: {  	[tilespmem:s25], [sflag:$0x1] =	stream.indirect_vreg.gather [hbm4b:s5+s2], $0x80, v4, vm1, $0xb8;
	[tilespmem:$0x19000] =	vst v63  }
0x55: {  	s28 =	simm.s32 $0x7C00  }
0x56: {  	[tilespmem:s28], [sflag:$0x1] =	stream.indirect_vreg.gather [hbm4b:s3+s2], $0x80, v3, vm0, $0xb8;
	[tilespmem:$0x19000] =	vst v63  }
0x57: {  	s29 =	simm.s32 $0x8400  }
0x58: {  	[tilespmem:s29], [sflag:$0x1] =	stream.indirect_vreg.gather [hbm4b:s5+s2], $0x80, v3, vm1, $0xb8;
	[tilespmem:$0x19000] =	vst v63  }
0x59: {  	v3 =	vld.msk [tilespmem:$0x30], $0xff;
	_ =	sdelay $0x4  }
0x5a: {  	v51 =	vshrl.u32 v3, $0x3  }
0x5b: {  	v4 =	vmul.u32 $0x18, v51  }
0x5c: {  	v3 =	vand.u32 $0x7, v3  }
0x5d: {  	v3 =	vor.u32 v3, v4  }
0x5e: {  	v3 =	vperm.xlane v3, v0;
	_ =	sdelay $0x1  }
0x5f: {  	v3 =	vadd.s32 v1, v3;
	_ =	sdelay $0x3  }
0x60: {  	s25 =	simm.s32 $0x8800  }
0x61: {  	[tilespmem:s25], [sflag:$0x1] =	stream.indirect_vreg.gather [hbm4b:s3+s2], $0x80, v3, vm0, $0xb8;
	[tilespmem:$0x19000] =	vst v63  }
0x62: {  	s28 =	simm.s32 $0x9000  }
0x63: {  	[tilespmem:s28], [sflag:$0x1] =	stream.indirect_vreg.gather [hbm4b:s5+s2], $0x80, v3, vm1, $0xb8;
	[tilespmem:$0x19000] =	vst v63  }
0x64: {  	v3 =	vld [tilespmem:$0x80];
	_ =	sdelay $0x4  }
0x65: {  	v52 =	vshrl.u32 v3, $0x3  }
0x66: {  	v4 =	vmul.u32 $0x18, v52  }
0x67: {  	v3 =	vand.u32 $0x7, v3  }
0x68: {  	v3 =	vor.u32 v3, v4  }
0x69: {  	v4 =	vperm.xlane v3, v0;
	_ =	sdelay $0x1  }
0x6a: {  	v4 =	vadd.s32 v1, v4;
	_ =	sdelay $0x1  }
0x6b: {  	v3 =	vperm.xlane v3, v2;
	_ =	sdelay $0x1  }
0x6c: {  	v3 =	vadd.s32 v1, v3  }
0x6d: {  	[tilespmem:s23], [sflag:$0x2] =	stream.indirect_vreg.gather [hbm4b:s3+s2], $0x80, v4, vm0, $0xb8;
	[tilespmem:$0x19000] =	vst v63  }
0x6e: {  	s29 =	simm.s32 $0x9C00  }
0x6f: {  	[tilespmem:s29], [sflag:$0x2] =	stream.indirect_vreg.gather [hbm4b:s5+s2], $0x80, v4, vm1, $0xb8;
	[tilespmem:$0x19000] =	vst v63  }
0x70: {  	s25 =	simm.s32 $0xA000  }
0x71: {  	[tilespmem:s25], [sflag:$0x2] =	stream.indirect_vreg.gather [hbm4b:s3+s2], $0x80, v3, vm0, $0xb8;
	[tilespmem:$0x19000] =	vst v63  }
0x72: {  	s28 =	simm.s32 $0xA800  }
0x73: {  	[tilespmem:s28], [sflag:$0x2] =	stream.indirect_vreg.gather [hbm4b:s5+s2], $0x80, v3, vm1, $0xb8;
	[tilespmem:$0x19000] =	vst v63  }
0x74: {  	v3 =	vld [tilespmem:$0x90];
	_ =	sdelay $0x4  }
0x75: {  	v53 =	vshrl.u32 v3, $0x3  }
0x76: {  	v4 =	vmul.u32 $0x18, v53  }
0x77: {  	v3 =	vand.u32 $0x7, v3  }
0x78: {  	v3 =	vor.u32 v3, v4  }
0x79: {  	v4 =	vperm.xlane v3, v0;
	_ =	sdelay $0x1  }
0x7a: {  	v4 =	vadd.s32 v1, v4;
	_ =	sdelay $0x1  }
0x7b: {  	v3 =	vperm.xlane v3, v2;
	_ =	sdelay $0x1  }
0x7c: {  	s29 =	simm.s32 $0xAC00;
	v3 =	vadd.s32 v1, v3  }
0x7d: {  	[tilespmem:s29], [sflag:$0x2] =	stream.indirect_vreg.gather [hbm4b:s3+s2], $0x80, v4, vm0, $0xb8;
	[tilespmem:$0x19000] =	vst v63  }
0x7e: {  	s25 =	simm.s32 $0xB400  }
0x7f: {  	[tilespmem:s25], [sflag:$0x2] =	stream.indirect_vreg.gather [hbm4b:s5+s2], $0x80, v4, vm1, $0xb8;
	[tilespmem:$0x19000] =	vst v63  }
0x80: {  	s28 =	simm.s32 $0xB800  }
0x81: {  	[tilespmem:s28], [sflag:$0x2] =	stream.indirect_vreg.gather [hbm4b:s3+s2], $0x80, v3, vm0, $0xb8;
	[tilespmem:$0x19000] =	vst v63  }
0x82: {  	s29 =	simm.s32 $0xC000  }
0x83: {  	[tilespmem:s29], [sflag:$0x2] =	stream.indirect_vreg.gather [hbm4b:s5+s2], $0x80, v3, vm1, $0xb8;
	[tilespmem:$0x19000] =	vst v63  }
0x84: {  	v3 =	vld [tilespmem:$0xA0];
	_ =	sdelay $0x4  }
0x85: {  	v54 =	vshrl.u32 v3, $0x3  }
0x86: {  	v4 =	vmul.u32 $0x18, v54  }
0x87: {  	v3 =	vand.u32 $0x7, v3  }
0x88: {  	v3 =	vor.u32 v3, v4  }
0x89: {  	v4 =	vperm.xlane v3, v0;
	_ =	sdelay $0x1  }
0x8a: {  	v4 =	vadd.s32 v1, v4;
	_ =	sdelay $0x1  }
0x8b: {  	v3 =	vperm.xlane v3, v2;
	_ =	sdelay $0x1  }
0x8c: {  	s25 =	simm.s32 $0xC400;
	v3 =	vadd.s32 v1, v3  }
0x8d: {  	[tilespmem:s25], [sflag:$0x2] =	stream.indirect_vreg.gather [hbm4b:s3+s2], $0x80, v4, vm0, $0xb8;
	[tilespmem:$0x19000] =	vst v63  }
0x8e: {  	s28 =	simm.s32 $0xCC00  }
0x8f: {  	[tilespmem:s28], [sflag:$0x2] =	stream.indirect_vreg.gather [hbm4b:s5+s2], $0x80, v4, vm1, $0xb8;
	[tilespmem:$0x19000] =	vst v63  }
0x90: {  	s29 =	simm.s32 $0xD000  }
0x91: {  	[tilespmem:s29], [sflag:$0x2] =	stream.indirect_vreg.gather [hbm4b:s3+s2], $0x80, v3, vm0, $0xb8;
	[tilespmem:$0x19000] =	vst v63  }
0x92: {  	s25 =	simm.s32 $0xD800  }
0x93: {  	[tilespmem:s25], [sflag:$0x2] =	stream.indirect_vreg.gather [hbm4b:s5+s2], $0x80, v3, vm1, $0xb8;
	[tilespmem:$0x19000] =	vst v63  }
0x94: {  	v3 =	vld.msk [tilespmem:$0xB0], $0xff;
	_ =	sdelay $0x4  }
0x95: {  	v55 =	vshrl.u32 v3, $0x3  }
0x96: {  	v4 =	vmul.u32 $0x18, v55  }
0x97: {  	v3 =	vand.u32 $0x7, v3  }
0x98: {  	v3 =	vor.u32 v3, v4  }
0x99: {  	v3 =	vperm.xlane v3, v0;
	_ =	sdelay $0x1  }
0x9a: {  	v3 =	vadd.s32 v1, v3;
	_ =	sdelay $0x3  }
0x9b: {  	s28 =	simm.s32 $0xDC00  }
0x9c: {  	[tilespmem:s28], [sflag:$0x2] =	stream.indirect_vreg.gather [hbm4b:s3+s2], $0x80, v3, vm0, $0xb8;
	[tilespmem:$0x19000] =	vst v63  }
0x9d: {  	s29 =	simm.s32 $0xE400  }
0x9e: {  	[tilespmem:s29], [sflag:$0x2] =	stream.indirect_vreg.gather [hbm4b:s5+s2], $0x80, v3, vm1, $0xb8;
	[tilespmem:$0x19000] =	vst v63  }
0x9f: {  	v3 =	vld [tilespmem:$0x100];
	_ =	sdelay $0x4  }
0xa0: {  	v56 =	vshrl.u32 v3, $0x3  }
0xa1: {  	v4 =	vmul.u32 $0x18, v56  }
0xa2: {  	v3 =	vand.u32 $0x7, v3  }
0xa3: {  	v3 =	vor.u32 v3, v4  }
0xa4: {  	v4 =	vperm.xlane v3, v0;
	_ =	sdelay $0x1  }
0xa5: {  	v4 =	vadd.s32 v1, v4;
	_ =	sdelay $0x1  }
0xa6: {  	v3 =	vperm.xlane v3, v2;
	_ =	sdelay $0x1  }
0xa7: {  	v3 =	vadd.s32 v1, v3  }
0xa8: {  	[tilespmem:s11], [sflag:$0x3] =	stream.indirect_vreg.gather [hbm4b:s3+s2], $0x80, v4, vm0, $0xb8;
	[tilespmem:$0x19000] =	vst v63  }
0xa9: {  	s25 =	simm.s32 $0xF000  }
0xaa: {  	[tilespmem:s25], [sflag:$0x3] =	stream.indirect_vreg.gather [hbm4b:s5+s2], $0x80, v4, vm1, $0xb8;
	[tilespmem:$0x19000] =	vst v63  }
0xab: {  	s28 =	simm.s32 $0xF400  }
0xac: {  	[tilespmem:s28], [sflag:$0x3] =	stream.indirect_vreg.gather [hbm4b:s3+s2], $0x80, v3, vm0, $0xb8;
	[tilespmem:$0x19000] =	vst v63  }
0xad: {  	s29 =	simm.s32 $0xFC00  }
0xae: {  	[tilespmem:s29], [sflag:$0x3] =	stream.indirect_vreg.gather [hbm4b:s5+s2], $0x80, v3, vm1, $0xb8;
	[tilespmem:$0x19000] =	vst v63  }
0xaf: {  	v3 =	vld [tilespmem:$0x110];
	_ =	sdelay $0x4  }
0xb0: {  	v57 =	vshrl.u32 v3, $0x3  }
0xb1: {  	v4 =	vmul.u32 $0x18, v57  }
0xb2: {  	v3 =	vand.u32 $0x7, v3  }
0xb3: {  	v3 =	vor.u32 v3, v4  }
0xb4: {  	v4 =	vperm.xlane v3, v0;
	_ =	sdelay $0x1  }
0xb5: {  	v4 =	vadd.s32 v1, v4;
	_ =	sdelay $0x1  }
0xb6: {  	v3 =	vperm.xlane v3, v2;
	_ =	sdelay $0x1  }
0xb7: {  	s25 =	simm.s32 $0x10000;
	v3 =	vadd.s32 v1, v3  }
0xb8: {  	[tilespmem:s25], [sflag:$0x3] =	stream.indirect_vreg.gather [hbm4b:s3+s2], $0x80, v4, vm0, $0xb8;
	[tilespmem:$0x19000] =	vst v63  }
0xb9: {  	s28 =	simm.s32 $0x10800  }
0xba: {  	[tilespmem:s28], [sflag:$0x3] =	stream.indirect_vreg.gather [hbm4b:s5+s2], $0x80, v4, vm1, $0xb8;
	[tilespmem:$0x19000] =	vst v63  }
0xbb: {  	s29 =	simm.s32 $0x10C00  }
0xbc: {  	[tilespmem:s29], [sflag:$0x3] =	stream.indirect_vreg.gather [hbm4b:s3+s2], $0x80, v3, vm0, $0xb8;
	[tilespmem:$0x19000] =	vst v63  }
0xbd: {  	s25 =	simm.s32 $0x11400  }
0xbe: {  	[tilespmem:s25], [sflag:$0x3] =	stream.indirect_vreg.gather [hbm4b:s5+s2], $0x80, v3, vm1, $0xb8;
	[tilespmem:$0x19000] =	vst v63  }
0xbf: {  	v3 =	vld [tilespmem:$0x120];
	_ =	sdelay $0x4  }
0xc0: {  	v58 =	vshrl.u32 v3, $0x3  }
0xc1: {  	v4 =	vmul.u32 $0x18, v58  }
0xc2: {  	v3 =	vand.u32 $0x7, v3  }
0xc3: {  	v3 =	vor.u32 v3, v4  }
0xc4: {  	v4 =	vperm.xlane v3, v0;
	_ =	sdelay $0x1  }
0xc5: {  	v4 =	vadd.s32 v1, v4;
	_ =	sdelay $0x1  }
0xc6: {  	v3 =	vperm.xlane v3, v2;
	_ =	sdelay $0x1  }
0xc7: {  	s28 =	simm.s32 $0x11800;
	v3 =	vadd.s32 v1, v3  }
0xc8: {  	[tilespmem:s28], [sflag:$0x3] =	stream.indirect_vreg.gather [hbm4b:s3+s2], $0x80, v4, vm0, $0xb8;
	[tilespmem:$0x19000] =	vst v63  }
0xc9: {  	s29 =	simm.s32 $0x12000  }
0xca: {  	[tilespmem:s29], [sflag:$0x3] =	stream.indirect_vreg.gather [hbm4b:s5+s2], $0x80, v4, vm1, $0xb8;
	[tilespmem:$0x19000] =	vst v63  }
0xcb: {  	s25 =	simm.s32 $0x12400  }
0xcc: {  	[tilespmem:s25], [sflag:$0x3] =	stream.indirect_vreg.gather [hbm4b:s3+s2], $0x80, v3, vm0, $0xb8;
	[tilespmem:$0x19000] =	vst v63  }
0xcd: {  	s28 =	simm.s32 $0x12C00  }
0xce: {  	[tilespmem:s28], [sflag:$0x3] =	stream.indirect_vreg.gather [hbm4b:s5+s2], $0x80, v3, vm1, $0xb8;
	[tilespmem:$0x19000] =	vst v63  }
0xcf: {  	v3 =	vld.msk [tilespmem:$0x130], $0xff;
	_ =	sdelay $0x4  }
0xd0: {  	v59 =	vshrl.u32 v3, $0x3  }
0xd1: {  	v4 =	vmul.u32 $0x18, v59  }
0xd2: {  	v3 =	vand.u32 $0x7, v3  }
0xd3: {  	v3 =	vor.u32 v3, v4  }
0xd4: {  	v3 =	vperm.xlane v3, v0;
	_ =	sdelay $0x1  }
0xd5: {  	v3 =	vadd.s32 v1, v3;
	_ =	sdelay $0x3  }
0xd6: {  	s29 =	simm.s32 $0x13000  }
0xd7: {  	[tilespmem:s29], [sflag:$0x3] =	stream.indirect_vreg.gather [hbm4b:s3+s2], $0x80, v3, vm0, $0xb8;
	[tilespmem:$0x19000] =	vst v63  }
0xd8: {  	s25 =	simm.s32 $0x13800  }
0xd9: {  	[tilespmem:s25], [sflag:$0x3] =	stream.indirect_vreg.gather [hbm4b:s5+s2], $0x80, v3, vm1, $0xb8;
	[tilespmem:$0x19000] =	vst v63  }
0xda: {  	v3 =	vld [tilespmem:$0x180];
	_ =	sdelay $0x4  }
0xdb: {  	v60 =	vshrl.u32 v3, $0x3  }
0xdc: {  	v4 =	vmul.u32 $0x18, v60  }
0xdd: {  	v3 =	vand.u32 $0x7, v3  }
0xde: {  	v3 =	vor.u32 v3, v4  }
0xdf: {  	v4 =	vperm.xlane v3, v0;
	_ =	sdelay $0x1  }
0xe0: {  	v4 =	vadd.s32 v1, v4;
	_ =	sdelay $0x1  }
0xe1: {  	v3 =	vperm.xlane v3, v2;
	_ =	sdelay $0x1  }
0xe2: {  	v3 =	vadd.s32 v1, v3  }
0xe3: {  	[tilespmem:s26], [sflag:$0x4] =	stream.indirect_vreg.gather [hbm4b:s3+s2], $0x80, v4, vm0, $0xb8;
	[tilespmem:$0x19000] =	vst v63  }
0xe4: {  	s28 =	simm.s32 $0x14400  }
0xe5: {  	[tilespmem:s28], [sflag:$0x4] =	stream.indirect_vreg.gather [hbm4b:s5+s2], $0x80, v4, vm1, $0xb8;
	[tilespmem:$0x19000] =	vst v63  }
0xe6: {  	s29 =	simm.s32 $0x14800  }
0xe7: {  	[tilespmem:s29], [sflag:$0x4] =	stream.indirect_vreg.gather [hbm4b:s3+s2], $0x80, v3, vm0, $0xb8;
	[tilespmem:$0x19000] =	vst v63  }
0xe8: {  	_ = 	snop  }
0xe9: {  	[tilespmem:s30], [sflag:$0x4] =	stream.indirect_vreg.gather [hbm4b:s5+s2], $0x80, v3, vm1, $0xb8;
	[tilespmem:$0x19000] =	vst v63  }
0xea: {  	v3 =	vld [tilespmem:$0x190];
	_ =	sdelay $0x4  }
0xeb: {  	v61 =	vshrl.u32 v3, $0x3  }
0xec: {  	v4 =	vmul.u32 $0x18, v61  }
0xed: {  	v3 =	vand.u32 $0x7, v3  }
0xee: {  	v3 =	vor.u32 v3, v4  }
0xef: {  	v4 =	vperm.xlane v3, v0;
	_ =	sdelay $0x1  }
0xf0: {  	v4 =	vadd.s32 v1, v4;
	_ =	sdelay $0x1  }
0xf1: {  	v3 =	vperm.xlane v3, v2;
	_ =	sdelay $0x1  }
0xf2: {  	v3 =	vadd.s32 v1, v3  }
0xf3: {  	[tilespmem:s31], [sflag:$0x4] =	stream.indirect_vreg.gather [hbm4b:s3+s2], $0x80, v4, vm0, $0xb8;
	[tilespmem:$0x19000] =	vst v63  }
0xf4: {  	_ = 	snop  }
0xf5: {  	[tilespmem:s0], [sflag:$0x4] =	stream.indirect_vreg.gather [hbm4b:s5+s2], $0x80, v4, vm1, $0xb8;
	[tilespmem:$0x19000] =	vst v63  }
0xf6: {  	_ = 	snop  }
0xf7: {  	[tilespmem:s1], [sflag:$0x4] =	stream.indirect_vreg.gather [hbm4b:s3+s2], $0x80, v3, vm0, $0xb8;
	[tilespmem:$0x19000] =	vst v63  }
0xf8: {  	_ = 	snop  }
0xf9: {  	[tilespmem:s4], [sflag:$0x4] =	stream.indirect_vreg.gather [hbm4b:s5+s2], $0x80, v3, vm1, $0xb8;
	[tilespmem:$0x19000] =	vst v63  }
0xfa: {  	v3 =	vld [tilespmem:$0x1A0];
	_ =	sdelay $0x4  }
0xfb: {  	v62 =	vshrl.u32 v3, $0x3  }
0xfc: {  	v4 =	vmul.u32 $0x18, v62  }
0xfd: {  	v3 =	vand.u32 $0x7, v3  }
0xfe: {  	v3 =	vor.u32 v3, v4  }
0xff: {  	v4 =	vperm.xlane v3, v0;
	_ =	sdelay $0x1  }
0x100: {  	v4 =	vadd.s32 v1, v4;
	_ =	sdelay $0x1  }
0x101: {  	v3 =	vperm.xlane v3, v2;
	_ =	sdelay $0x1  }
0x102: {  	v3 =	vadd.s32 v1, v3  }
0x103: {  	[tilespmem:s6], [sflag:$0x4] =	stream.indirect_vreg.gather [hbm4b:s3+s2], $0x80, v4, vm0, $0xb8;
	[tilespmem:$0x19000] =	vst v63  }
0x104: {  	_ = 	snop  }
0x105: {  	[tilespmem:s8], [sflag:$0x4] =	stream.indirect_vreg.gather [hbm4b:s5+s2], $0x80, v4, vm1, $0xb8;
	[tilespmem:$0x19000] =	vst v63  }
0x106: {  	_ = 	snop  }
0x107: {  	[tilespmem:s10], [sflag:$0x4] =	stream.indirect_vreg.gather [hbm4b:s3+s2], $0x80, v3, vm0, $0xb8;
	[tilespmem:$0x19000] =	vst v63  }
0x108: {  	_ = 	snop  }
0x109: {  	[tilespmem:s12], [sflag:$0x4] =	stream.indirect_vreg.gather [hbm4b:s5+s2], $0x80, v3, vm1, $0xb8;
	[tilespmem:$0x19000] =	vst v63  }
0x10a: {  	v3 =	vld.msk [tilespmem:$0x1B0], $0xff;
	_ =	sdelay $0x4  }
0x10b: {  	v63 =	vshrl.u32 v3, $0x3  }
0x10c: {  	v4 =	vmul.u32 $0x18, v63  }
0x10d: {  	v3 =	vand.u32 $0x7, v3  }
0x10e: {  	v3 =	vor.u32 v3, v4  }
0x10f: {  	v3 =	vperm.xlane v3, v0;
	_ =	sdelay $0x1  }
0x110: {  	v3 =	vadd.s32 v1, v3;
	_ =	sdelay $0x4  }
0x111: {  	[tilespmem:s13], [sflag:$0x4] =	stream.indirect_vreg.gather [hbm4b:s3+s2], $0x80, v3, vm0, $0xb8;
	[tilespmem:$0x19000] =	vst v63  }
0x112: {  	s24 =	simm.s32 $0x3B0;
	s25 =	simm.s32 $0x0  }
0x113: {  	[tilespmem:s14], [sflag:$0x4] =	stream.indirect_vreg.gather [hbm4b:s5+s2], $0x80, v3, vm1, $0xb8;
	[tilespmem:$0x19000] =	vst v63  }
.LBB2_2:
0x114: {  	p0 =	seq.s32 s25, $0x51600  }
.Ltmp2:
0x115: {  	_ = 	snop;
	(pc) =	sbr.rel @p0 .LBB2_4-.Ltmp2, $4  }
0x116: {  	_ =	swait.ge [sflag:s15], $0x5400  }
0x117: {  	[sflag:s15] =	ssyncset.done $0x0  }
0x118: {  	s28 =	sadd.s32 s25, s7;
	[sflag:s15] =	ssyncadd.s32 $0xFFFFAC00  }
0x119: {  	[hbm4b:s28+s2] =	stream.linear.scatter [tilespmem:s9], [sflag:$0x5], $0x5400, $0x38;
	[tilespmem:$0x19000] =	vst v63  }
0x11a: {  	_ =	swait.ge [sflag:s19], $0x5400  }
0x11b: {  	[sflag:s19] =	ssyncset.done $0x0  }
0x11c: {  	[sflag:s19] =	ssyncadd.s32 $0xFFFFAC00  }
0x11d: {  	v3 =	vld [tilespmem:s24+$0xFFFFFE50];
	_ =	sdelay $0x4  }
0x11e: {  	v4 =	vshrl.u32 v3, $0x3  }
0x11f: {  	v4 =	vmul.u32 $0x18, v4  }
0x120: {  	v3 =	vand.u32 $0x7, v3  }
0x121: {  	v3 =	vor.u32 v3, v4  }
0x122: {  	v4 =	vperm.xlane v3, v0;
	_ =	sdelay $0x1  }
0x123: {  	v4 =	vadd.s32 v1, v4;
	_ =	sdelay $0x1  }
0x124: {  	v3 =	vperm.xlane v3, v2;
	_ =	sdelay $0x1  }
0x125: {  	v3 =	vadd.s32 v1, v3  }
0x126: {  	[tilespmem:s9], [sflag:$0x1] =	stream.indirect_vreg.gather [hbm4b:s3+s2], $0x80, v4, vm0, $0xb8;
	[tilespmem:$0x19000] =	vst v63  }
0x127: {  	s29 =	simm.s32 $0x4800  }
0x128: {  	[tilespmem:s29], [sflag:$0x1] =	stream.indirect_vreg.gather [hbm4b:s5+s2], $0x80, v4, vm1, $0xb8;
	[tilespmem:$0x19000] =	vst v63  }
0x129: {  	s29 =	simm.s32 $0x4C00  }
0x12a: {  	[tilespmem:s29], [sflag:$0x1] =	stream.indirect_vreg.gather [hbm4b:s3+s2], $0x80, v3, vm0, $0xb8;
	[tilespmem:$0x19000] =	vst v63  }
0x12b: {  	s29 =	simm.s32 $0x5400  }
0x12c: {  	[tilespmem:s29], [sflag:$0x1] =	stream.indirect_vreg.gather [hbm4b:s5+s2], $0x80, v3, vm1, $0xb8;
	[tilespmem:$0x19000] =	vst v63  }
0x12d: {  	v3 =	vld [tilespmem:s24+$0xFFFFFE60];
	_ =	sdelay $0x4  }
0x12e: {  	v61 =	vshrl.u32 v3, $0x3  }
0x12f: {  	v4 =	vmul.u32 $0x18, v61  }
0x130: {  	v3 =	vand.u32 $0x7, v3  }
0x131: {  	v3 =	vor.u32 v3, v4  }
0x132: {  	v4 =	vperm.xlane v3, v0;
	_ =	sdelay $0x1  }
0x133: {  	v4 =	vadd.s32 v1, v4;
	_ =	sdelay $0x1  }
0x134: {  	v3 =	vperm.xlane v3, v2;
	_ =	sdelay $0x1  }
0x135: {  	s29 =	simm.s32 $0x5800;
	v3 =	vadd.s32 v1, v3  }
0x136: {  	[tilespmem:s29], [sflag:$0x1] =	stream.indirect_vreg.gather [hbm4b:s3+s2], $0x80, v4, vm0, $0xb8;
	[tilespmem:$0x19000] =	vst v63  }
0x137: {  	s29 =	simm.s32 $0x6000  }
0x138: {  	[tilespmem:s29], [sflag:$0x1] =	stream.indirect_vreg.gather [hbm4b:s5+s2], $0x80, v4, vm1, $0xb8;
	[tilespmem:$0x19000] =	vst v63  }
0x139: {  	s29 =	simm.s32 $0x6400  }
0x13a: {  	[tilespmem:s29], [sflag:$0x1] =	stream.indirect_vreg.gather [hbm4b:s3+s2], $0x80, v3, vm0, $0xb8;
	[tilespmem:$0x19000] =	vst v63  }
0x13b: {  	s29 =	simm.s32 $0x6C00  }
0x13c: {  	[tilespmem:s29], [sflag:$0x1] =	stream.indirect_vreg.gather [hbm4b:s5+s2], $0x80, v3, vm1, $0xb8;
	[tilespmem:$0x19000] =	vst v63  }
0x13d: {  	v3 =	vld [tilespmem:s24+$0xFFFFFE70];
	_ =	sdelay $0x4  }
0x13e: {  	v62 =	vshrl.u32 v3, $0x3  }
0x13f: {  	v4 =	vmul.u32 $0x18, v62  }
0x140: {  	v3 =	vand.u32 $0x7, v3  }
0x141: {  	v3 =	vor.u32 v3, v4  }
0x142: {  	v4 =	vperm.xlane v3, v0;
	_ =	sdelay $0x1  }
0x143: {  	v4 =	vadd.s32 v1, v4;
	_ =	sdelay $0x1  }
0x144: {  	v3 =	vperm.xlane v3, v2;
	_ =	sdelay $0x1  }
0x145: {  	s29 =	simm.s32 $0x7000;
	v3 =	vadd.s32 v1, v3  }
0x146: {  	[tilespmem:s29], [sflag:$0x1] =	stream.indirect_vreg.gather [hbm4b:s3+s2], $0x80, v4, vm0, $0xb8;
	[tilespmem:$0x19000] =	vst v63  }
0x147: {  	s29 =	simm.s32 $0x7800  }
0x148: {  	[tilespmem:s29], [sflag:$0x1] =	stream.indirect_vreg.gather [hbm4b:s5+s2], $0x80, v4, vm1, $0xb8;
	[tilespmem:$0x19000] =	vst v63  }
0x149: {  	s29 =	simm.s32 $0x7C00  }
0x14a: {  	[tilespmem:s29], [sflag:$0x1] =	stream.indirect_vreg.gather [hbm4b:s3+s2], $0x80, v3, vm0, $0xb8;
	[tilespmem:$0x19000] =	vst v63  }
0x14b: {  	s29 =	simm.s32 $0x8400  }
0x14c: {  	[tilespmem:s29], [sflag:$0x1] =	stream.indirect_vreg.gather [hbm4b:s5+s2], $0x80, v3, vm1, $0xb8;
	[tilespmem:$0x19000] =	vst v63  }
0x14d: {  	v3 =	vld.msk [tilespmem:s24+$0xFFFFFE80], $0xff;
	_ =	sdelay $0x4  }
0x14e: {  	v63 =	vshrl.u32 v3, $0x3  }
0x14f: {  	v4 =	vmul.u32 $0x18, v63  }
0x150: {  	v3 =	vand.u32 $0x7, v3  }
0x151: {  	v3 =	vor.u32 v3, v4  }
0x152: {  	v3 =	vperm.xlane v3, v0;
	_ =	sdelay $0x1  }
0x153: {  	v3 =	vadd.s32 v1, v3;
	_ =	sdelay $0x3  }
0x154: {  	s29 =	simm.s32 $0x8800  }
0x155: {  	[tilespmem:s29], [sflag:$0x1] =	stream.indirect_vreg.gather [hbm4b:s3+s2], $0x80, v3, vm0, $0xb8;
	[tilespmem:$0x19000] =	vst v63  }
0x156: {  	s29 =	simm.s32 $0x9000  }
0x157: {  	[tilespmem:s29], [sflag:$0x1] =	stream.indirect_vreg.gather [hbm4b:s5+s2], $0x80, v3, vm1, $0xb8;
	[tilespmem:$0x19000] =	vst v63  }
.LBB2_4:
.Ltmp3:
0x158: {  	(pc) =	sbr.rel @p0 .LBB2_6-.Ltmp3, $4  }
0x159: {  	_ =	swait.ge [sflag:s16], $0x5400  }
0x15a: {  	[sflag:s16] =	ssyncset.done $0x0  }
0x15b: {  	s29 =	sadd.s32 $0xA80, s28;
	[sflag:s16] =	ssyncadd.s32 $0xFFFFAC00  }
0x15c: {  	[hbm4b:s29+s2] =	stream.linear.scatter [tilespmem:s23], [sflag:$0x6], $0x5400, $0x38;
	[tilespmem:$0x19000] =	vst v63  }
0x15d: {  	_ =	swait.ge [sflag:s20], $0x5400  }
0x15e: {  	[sflag:s20] =	ssyncset.done $0x0  }
0x15f: {  	[sflag:s20] =	ssyncadd.s32 $0xFFFFAC00  }
0x160: {  	v3 =	vld [tilespmem:s24+$0xFFFFFED0];
	_ =	sdelay $0x4  }
0x161: {  	v4 =	vshrl.u32 v3, $0x3  }
0x162: {  	v4 =	vmul.u32 $0x18, v4  }
0x163: {  	v3 =	vand.u32 $0x7, v3  }
0x164: {  	v3 =	vor.u32 v3, v4  }
0x165: {  	v4 =	vperm.xlane v3, v0;
	_ =	sdelay $0x1  }
0x166: {  	v4 =	vadd.s32 v1, v4;
	_ =	sdelay $0x1  }
0x167: {  	v3 =	vperm.xlane v3, v2;
	_ =	sdelay $0x1  }
0x168: {  	v3 =	vadd.s32 v1, v3  }
0x169: {  	[tilespmem:s23], [sflag:$0x2] =	stream.indirect_vreg.gather [hbm4b:s3+s2], $0x80, v4, vm0, $0xb8;
	[tilespmem:$0x19000] =	vst v63  }
0x16a: {  	s29 =	simm.s32 $0x9C00  }
0x16b: {  	[tilespmem:s29], [sflag:$0x2] =	stream.indirect_vreg.gather [hbm4b:s5+s2], $0x80, v4, vm1, $0xb8;
	[tilespmem:$0x19000] =	vst v63  }
0x16c: {  	s29 =	simm.s32 $0xA000  }
0x16d: {  	[tilespmem:s29], [sflag:$0x2] =	stream.indirect_vreg.gather [hbm4b:s3+s2], $0x80, v3, vm0, $0xb8;
	[tilespmem:$0x19000] =	vst v63  }
0x16e: {  	s29 =	simm.s32 $0xA800  }
0x16f: {  	[tilespmem:s29], [sflag:$0x2] =	stream.indirect_vreg.gather [hbm4b:s5+s2], $0x80, v3, vm1, $0xb8;
	[tilespmem:$0x19000] =	vst v63  }
0x170: {  	v3 =	vld [tilespmem:s24+$0xFFFFFEE0];
	_ =	sdelay $0x4  }
0x171: {  	v61 =	vshrl.u32 v3, $0x3  }
0x172: {  	v4 =	vmul.u32 $0x18, v61  }
0x173: {  	v3 =	vand.u32 $0x7, v3  }
0x174: {  	v3 =	vor.u32 v3, v4  }
0x175: {  	v4 =	vperm.xlane v3, v0;
	_ =	sdelay $0x1  }
0x176: {  	v4 =	vadd.s32 v1, v4;
	_ =	sdelay $0x1  }
0x177: {  	v3 =	vperm.xlane v3, v2;
	_ =	sdelay $0x1  }
0x178: {  	s29 =	simm.s32 $0xAC00;
	v3 =	vadd.s32 v1, v3  }
0x179: {  	[tilespmem:s29], [sflag:$0x2] =	stream.indirect_vreg.gather [hbm4b:s3+s2], $0x80, v4, vm0, $0xb8;
	[tilespmem:$0x19000] =	vst v63  }
0x17a: {  	s29 =	simm.s32 $0xB400  }
0x17b: {  	[tilespmem:s29], [sflag:$0x2] =	stream.indirect_vreg.gather [hbm4b:s5+s2], $0x80, v4, vm1, $0xb8;
	[tilespmem:$0x19000] =	vst v63  }
0x17c: {  	s29 =	simm.s32 $0xB800  }
0x17d: {  	[tilespmem:s29], [sflag:$0x2] =	stream.indirect_vreg.gather [hbm4b:s3+s2], $0x80, v3, vm0, $0xb8;
	[tilespmem:$0x19000] =	vst v63  }
0x17e: {  	s29 =	simm.s32 $0xC000  }
0x17f: {  	[tilespmem:s29], [sflag:$0x2] =	stream.indirect_vreg.gather [hbm4b:s5+s2], $0x80, v3, vm1, $0xb8;
	[tilespmem:$0x19000] =	vst v63  }
0x180: {  	v3 =	vld [tilespmem:s24+$0xFFFFFEF0];
	_ =	sdelay $0x4  }
0x181: {  	v62 =	vshrl.u32 v3, $0x3  }
0x182: {  	v4 =	vmul.u32 $0x18, v62  }
0x183: {  	v3 =	vand.u32 $0x7, v3  }
0x184: {  	v3 =	vor.u32 v3, v4  }
0x185: {  	v4 =	vperm.xlane v3, v0;
	_ =	sdelay $0x1  }
0x186: {  	v4 =	vadd.s32 v1, v4;
	_ =	sdelay $0x1  }
0x187: {  	v3 =	vperm.xlane v3, v2;
	_ =	sdelay $0x1  }
0x188: {  	s29 =	simm.s32 $0xC400;
	v3 =	vadd.s32 v1, v3  }
0x189: {  	[tilespmem:s29], [sflag:$0x2] =	stream.indirect_vreg.gather [hbm4b:s3+s2], $0x80, v4, vm0, $0xb8;
	[tilespmem:$0x19000] =	vst v63  }
0x18a: {  	s29 =	simm.s32 $0xCC00  }
0x18b: {  	[tilespmem:s29], [sflag:$0x2] =	stream.indirect_vreg.gather [hbm4b:s5+s2], $0x80, v4, vm1, $0xb8;
	[tilespmem:$0x19000] =	vst v63  }
0x18c: {  	s29 =	simm.s32 $0xD000  }
0x18d: {  	[tilespmem:s29], [sflag:$0x2] =	stream.indirect_vreg.gather [hbm4b:s3+s2], $0x80, v3, vm0, $0xb8;
	[tilespmem:$0x19000] =	vst v63  }
0x18e: {  	s29 =	simm.s32 $0xD800  }
0x18f: {  	[tilespmem:s29], [sflag:$0x2] =	stream.indirect_vreg.gather [hbm4b:s5+s2], $0x80, v3, vm1, $0xb8;
	[tilespmem:$0x19000] =	vst v63  }
0x190: {  	v3 =	vld.msk [tilespmem:s24+$0xFFFFFF00], $0xff;
	_ =	sdelay $0x4  }
0x191: {  	v63 =	vshrl.u32 v3, $0x3  }
0x192: {  	v4 =	vmul.u32 $0x18, v63  }
0x193: {  	v3 =	vand.u32 $0x7, v3  }
0x194: {  	v3 =	vor.u32 v3, v4  }
0x195: {  	v3 =	vperm.xlane v3, v0;
	_ =	sdelay $0x1  }
0x196: {  	v3 =	vadd.s32 v1, v3;
	_ =	sdelay $0x3  }
0x197: {  	s29 =	simm.s32 $0xDC00  }
0x198: {  	[tilespmem:s29], [sflag:$0x2] =	stream.indirect_vreg.gather [hbm4b:s3+s2], $0x80, v3, vm0, $0xb8;
	[tilespmem:$0x19000] =	vst v63  }
0x199: {  	s29 =	simm.s32 $0xE400  }
0x19a: {  	[tilespmem:s29], [sflag:$0x2] =	stream.indirect_vreg.gather [hbm4b:s5+s2], $0x80, v3, vm1, $0xb8;
	[tilespmem:$0x19000] =	vst v63  }
.LBB2_6:
.Ltmp4:
0x19b: {  	(pc) =	sbr.rel @p0 .LBB2_8-.Ltmp4, $4  }
0x19c: {  	_ =	swait.ge [sflag:s17], $0x5400  }
0x19d: {  	[sflag:s17] =	ssyncset.done $0x0  }
0x19e: {  	s29 =	sadd.s32 $0x1500, s28;
	[sflag:s17] =	ssyncadd.s32 $0xFFFFAC00  }
0x19f: {  	[hbm4b:s29+s2] =	stream.linear.scatter [tilespmem:s11], [sflag:$0x7], $0x5400, $0x38;
	[tilespmem:$0x19000] =	vst v63  }
0x1a0: {  	_ =	swait.ge [sflag:s21], $0x5400  }
0x1a1: {  	[sflag:s21] =	ssyncset.done $0x0  }
0x1a2: {  	[sflag:s21] =	ssyncadd.s32 $0xFFFFAC00  }
0x1a3: {  	v3 =	vld [tilespmem:s24+$0xFFFFFF50];
	_ =	sdelay $0x4  }
0x1a4: {  	v4 =	vshrl.u32 v3, $0x3  }
0x1a5: {  	v4 =	vmul.u32 $0x18, v4  }
0x1a6: {  	v3 =	vand.u32 $0x7, v3  }
0x1a7: {  	v3 =	vor.u32 v3, v4  }
0x1a8: {  	v4 =	vperm.xlane v3, v0;
	_ =	sdelay $0x1  }
0x1a9: {  	v4 =	vadd.s32 v1, v4;
	_ =	sdelay $0x1  }
0x1aa: {  	v3 =	vperm.xlane v3, v2;
	_ =	sdelay $0x1  }
0x1ab: {  	v3 =	vadd.s32 v1, v3  }
0x1ac: {  	[tilespmem:s11], [sflag:$0x3] =	stream.indirect_vreg.gather [hbm4b:s3+s2], $0x80, v4, vm0, $0xb8;
	[tilespmem:$0x19000] =	vst v63  }
0x1ad: {  	s29 =	simm.s32 $0xF000  }
0x1ae: {  	[tilespmem:s29], [sflag:$0x3] =	stream.indirect_vreg.gather [hbm4b:s5+s2], $0x80, v4, vm1, $0xb8;
	[tilespmem:$0x19000] =	vst v63  }
0x1af: {  	s29 =	simm.s32 $0xF400  }
0x1b0: {  	[tilespmem:s29], [sflag:$0x3] =	stream.indirect_vreg.gather [hbm4b:s3+s2], $0x80, v3, vm0, $0xb8;
	[tilespmem:$0x19000] =	vst v63  }
0x1b1: {  	s29 =	simm.s32 $0xFC00  }
0x1b2: {  	[tilespmem:s29], [sflag:$0x3] =	stream.indirect_vreg.gather [hbm4b:s5+s2], $0x80, v3, vm1, $0xb8;
	[tilespmem:$0x19000] =	vst v63  }
0x1b3: {  	v3 =	vld [tilespmem:s24+$0xFFFFFF60];
	_ =	sdelay $0x4  }
0x1b4: {  	v61 =	vshrl.u32 v3, $0x3  }
0x1b5: {  	v4 =	vmul.u32 $0x18, v61  }
0x1b6: {  	v3 =	vand.u32 $0x7, v3  }
0x1b7: {  	v3 =	vor.u32 v3, v4  }
0x1b8: {  	v4 =	vperm.xlane v3, v0;
	_ =	sdelay $0x1  }
0x1b9: {  	v4 =	vadd.s32 v1, v4;
	_ =	sdelay $0x1  }
0x1ba: {  	v3 =	vperm.xlane v3, v2;
	_ =	sdelay $0x1  }
0x1bb: {  	s29 =	simm.s32 $0x10000;
	v3 =	vadd.s32 v1, v3  }
0x1bc: {  	[tilespmem:s29], [sflag:$0x3] =	stream.indirect_vreg.gather [hbm4b:s3+s2], $0x80, v4, vm0, $0xb8;
	[tilespmem:$0x19000] =	vst v63  }
0x1bd: {  	s29 =	simm.s32 $0x10800  }
0x1be: {  	[tilespmem:s29], [sflag:$0x3] =	stream.indirect_vreg.gather [hbm4b:s5+s2], $0x80, v4, vm1, $0xb8;
	[tilespmem:$0x19000] =	vst v63  }
0x1bf: {  	s29 =	simm.s32 $0x10C00  }
0x1c0: {  	[tilespmem:s29], [sflag:$0x3] =	stream.indirect_vreg.gather [hbm4b:s3+s2], $0x80, v3, vm0, $0xb8;
	[tilespmem:$0x19000] =	vst v63  }
0x1c1: {  	s29 =	simm.s32 $0x11400  }
0x1c2: {  	[tilespmem:s29], [sflag:$0x3] =	stream.indirect_vreg.gather [hbm4b:s5+s2], $0x80, v3, vm1, $0xb8;
	[tilespmem:$0x19000] =	vst v63  }
0x1c3: {  	v3 =	vld [tilespmem:s24+$0xFFFFFF70];
	_ =	sdelay $0x4  }
0x1c4: {  	v62 =	vshrl.u32 v3, $0x3  }
0x1c5: {  	v4 =	vmul.u32 $0x18, v62  }
0x1c6: {  	v3 =	vand.u32 $0x7, v3  }
0x1c7: {  	v3 =	vor.u32 v3, v4  }
0x1c8: {  	v4 =	vperm.xlane v3, v0;
	_ =	sdelay $0x1  }
0x1c9: {  	v4 =	vadd.s32 v1, v4;
	_ =	sdelay $0x1  }
0x1ca: {  	v3 =	vperm.xlane v3, v2;
	_ =	sdelay $0x1  }
0x1cb: {  	s29 =	simm.s32 $0x11800;
	v3 =	vadd.s32 v1, v3  }
0x1cc: {  	[tilespmem:s29], [sflag:$0x3] =	stream.indirect_vreg.gather [hbm4b:s3+s2], $0x80, v4, vm0, $0xb8;
	[tilespmem:$0x19000] =	vst v63  }
0x1cd: {  	s29 =	simm.s32 $0x12000  }
0x1ce: {  	[tilespmem:s29], [sflag:$0x3] =	stream.indirect_vreg.gather [hbm4b:s5+s2], $0x80, v4, vm1, $0xb8;
	[tilespmem:$0x19000] =	vst v63  }
0x1cf: {  	s29 =	simm.s32 $0x12400  }
0x1d0: {  	[tilespmem:s29], [sflag:$0x3] =	stream.indirect_vreg.gather [hbm4b:s3+s2], $0x80, v3, vm0, $0xb8;
	[tilespmem:$0x19000] =	vst v63  }
0x1d1: {  	s29 =	simm.s32 $0x12C00  }
0x1d2: {  	[tilespmem:s29], [sflag:$0x3] =	stream.indirect_vreg.gather [hbm4b:s5+s2], $0x80, v3, vm1, $0xb8;
	[tilespmem:$0x19000] =	vst v63  }
0x1d3: {  	v3 =	vld.msk [tilespmem:s24+$0xFFFFFF80], $0xff;
	_ =	sdelay $0x4  }
0x1d4: {  	v63 =	vshrl.u32 v3, $0x3  }
0x1d5: {  	v4 =	vmul.u32 $0x18, v63  }
0x1d6: {  	v3 =	vand.u32 $0x7, v3  }
0x1d7: {  	v3 =	vor.u32 v3, v4  }
0x1d8: {  	v3 =	vperm.xlane v3, v0;
	_ =	sdelay $0x1  }
0x1d9: {  	v3 =	vadd.s32 v1, v3;
	_ =	sdelay $0x3  }
0x1da: {  	s29 =	simm.s32 $0x13000  }
0x1db: {  	[tilespmem:s29], [sflag:$0x3] =	stream.indirect_vreg.gather [hbm4b:s3+s2], $0x80, v3, vm0, $0xb8;
	[tilespmem:$0x19000] =	vst v63  }
0x1dc: {  	s29 =	simm.s32 $0x13800  }
0x1dd: {  	[tilespmem:s29], [sflag:$0x3] =	stream.indirect_vreg.gather [hbm4b:s5+s2], $0x80, v3, vm1, $0xb8;
	[tilespmem:$0x19000] =	vst v63  }
.LBB2_8:
.Ltmp5:
0x1de: {  	(pc) =	sbr.rel @p0 .LBB2_10-.Ltmp5, $4  }
0x1df: {  	_ =	swait.ge [sflag:s18], $0x5400  }
0x1e0: {  	[sflag:s18] =	ssyncset.done $0x0  }
0x1e1: {  	s28 =	sadd.s32 $0x1F80, s28;
	[sflag:s18] =	ssyncadd.s32 $0xFFFFAC00  }
0x1e2: {  	[hbm4b:s28+s2] =	stream.linear.scatter [tilespmem:s26], [sflag:$0x8], $0x5400, $0x38;
	[tilespmem:$0x19000] =	vst v63  }
0x1e3: {  	_ =	swait.ge [sflag:s22], $0x5400  }
0x1e4: {  	[sflag:s22] =	ssyncset.done $0x0  }
0x1e5: {  	[sflag:s22] =	ssyncadd.s32 $0xFFFFAC00  }
0x1e6: {  	v3 =	vld [tilespmem:s24+$0xFFFFFFD0];
	_ =	sdelay $0x4  }
0x1e7: {  	v4 =	vshrl.u32 v3, $0x3  }
0x1e8: {  	v4 =	vmul.u32 $0x18, v4  }
0x1e9: {  	v3 =	vand.u32 $0x7, v3  }
0x1ea: {  	v3 =	vor.u32 v3, v4  }
0x1eb: {  	v4 =	vperm.xlane v3, v0;
	_ =	sdelay $0x1  }
0x1ec: {  	v4 =	vadd.s32 v1, v4;
	_ =	sdelay $0x1  }
0x1ed: {  	v3 =	vperm.xlane v3, v2;
	_ =	sdelay $0x1  }
0x1ee: {  	v3 =	vadd.s32 v1, v3  }
0x1ef: {  	[tilespmem:s26], [sflag:$0x4] =	stream.indirect_vreg.gather [hbm4b:s3+s2], $0x80, v4, vm0, $0xb8;
	[tilespmem:$0x19000] =	vst v63  }
0x1f0: {  	s28 =	simm.s32 $0x14400  }
0x1f1: {  	[tilespmem:s28], [sflag:$0x4] =	stream.indirect_vreg.gather [hbm4b:s5+s2], $0x80, v4, vm1, $0xb8;
	[tilespmem:$0x19000] =	vst v63  }
0x1f2: {  	s29 =	simm.s32 $0x14800  }
0x1f3: {  	[tilespmem:s29], [sflag:$0x4] =	stream.indirect_vreg.gather [hbm4b:s3+s2], $0x80, v3, vm0, $0xb8;
	[tilespmem:$0x19000] =	vst v63  }
0x1f4: {  	_ = 	snop  }
0x1f5: {  	[tilespmem:s30], [sflag:$0x4] =	stream.indirect_vreg.gather [hbm4b:s5+s2], $0x80, v3, vm1, $0xb8;
	[tilespmem:$0x19000] =	vst v63  }
0x1f6: {  	v3 =	vld [tilespmem:s24+$0xFFFFFFE0];
	_ =	sdelay $0x4  }
0x1f7: {  	v61 =	vshrl.u32 v3, $0x3  }
0x1f8: {  	v4 =	vmul.u32 $0x18, v61  }
0x1f9: {  	v3 =	vand.u32 $0x7, v3  }
0x1fa: {  	v3 =	vor.u32 v3, v4  }
0x1fb: {  	v4 =	vperm.xlane v3, v0;
	_ =	sdelay $0x1  }
0x1fc: {  	v4 =	vadd.s32 v1, v4;
	_ =	sdelay $0x1  }
0x1fd: {  	v3 =	vperm.xlane v3, v2;
	_ =	sdelay $0x1  }
0x1fe: {  	v3 =	vadd.s32 v1, v3  }
0x1ff: {  	[tilespmem:s31], [sflag:$0x4] =	stream.indirect_vreg.gather [hbm4b:s3+s2], $0x80, v4, vm0, $0xb8;
	[tilespmem:$0x19000] =	vst v63  }
0x200: {  	_ = 	snop  }
0x201: {  	[tilespmem:s0], [sflag:$0x4] =	stream.indirect_vreg.gather [hbm4b:s5+s2], $0x80, v4, vm1, $0xb8;
	[tilespmem:$0x19000] =	vst v63  }
0x202: {  	_ = 	snop  }
0x203: {  	[tilespmem:s1], [sflag:$0x4] =	stream.indirect_vreg.gather [hbm4b:s3+s2], $0x80, v3, vm0, $0xb8;
	[tilespmem:$0x19000] =	vst v63  }
0x204: {  	_ = 	snop  }
0x205: {  	[tilespmem:s4], [sflag:$0x4] =	stream.indirect_vreg.gather [hbm4b:s5+s2], $0x80, v3, vm1, $0xb8;
	[tilespmem:$0x19000] =	vst v63  }
0x206: {  	v3 =	vld [tilespmem:s24+$0xFFFFFFF0];
	_ =	sdelay $0x4  }
0x207: {  	v62 =	vshrl.u32 v3, $0x3  }
0x208: {  	v4 =	vmul.u32 $0x18, v62  }
0x209: {  	v3 =	vand.u32 $0x7, v3  }
0x20a: {  	v3 =	vor.u32 v3, v4  }
0x20b: {  	v4 =	vperm.xlane v3, v0;
	_ =	sdelay $0x1  }
0x20c: {  	v4 =	vadd.s32 v1, v4;
	_ =	sdelay $0x1  }
0x20d: {  	v3 =	vperm.xlane v3, v2;
	_ =	sdelay $0x1  }
0x20e: {  	v3 =	vadd.s32 v1, v3  }
0x20f: {  	[tilespmem:s6], [sflag:$0x4] =	stream.indirect_vreg.gather [hbm4b:s3+s2], $0x80, v4, vm0, $0xb8;
	[tilespmem:$0x19000] =	vst v63  }
0x210: {  	_ = 	snop  }
0x211: {  	[tilespmem:s8], [sflag:$0x4] =	stream.indirect_vreg.gather [hbm4b:s5+s2], $0x80, v4, vm1, $0xb8;
	[tilespmem:$0x19000] =	vst v63  }
0x212: {  	_ = 	snop  }
0x213: {  	[tilespmem:s10], [sflag:$0x4] =	stream.indirect_vreg.gather [hbm4b:s3+s2], $0x80, v3, vm0, $0xb8;
	[tilespmem:$0x19000] =	vst v63  }
0x214: {  	_ = 	snop  }
0x215: {  	[tilespmem:s12], [sflag:$0x4] =	stream.indirect_vreg.gather [hbm4b:s5+s2], $0x80, v3, vm1, $0xb8;
	[tilespmem:$0x19000] =	vst v63  }
0x216: {  	v3 =	vld.msk [tilespmem:s24+$0x0], $0xff;
	_ =	sdelay $0x4  }
0x217: {  	v63 =	vshrl.u32 v3, $0x3  }
0x218: {  	v4 =	vmul.u32 $0x18, v63  }
0x219: {  	v3 =	vand.u32 $0x7, v3  }
0x21a: {  	v3 =	vor.u32 v3, v4  }
0x21b: {  	v3 =	vperm.xlane v3, v0;
	_ =	sdelay $0x1  }
0x21c: {  	v3 =	vadd.s32 v1, v3;
	_ =	sdelay $0x2  }
.Ltmp6:
0x21d: {  	_ = 	snop;
	(pc) =	sbr.rel .LBB2_2-.Ltmp6, $4  }
0x21e: {  	_ = 	snop  }
0x21f: {  	[tilespmem:s13], [sflag:$0x4] =	stream.indirect_vreg.gather [hbm4b:s3+s2], $0x80, v3, vm0, $0xb8;
	[tilespmem:$0x19000] =	vst v63  }
0x220: {  	s25 =	sadd.s32 $0x2A00, s25;
	s24 =	sadd.s32 $0x200, s24  }
0x221: {  	[tilespmem:s14], [sflag:$0x4] =	stream.indirect_vreg.gather [hbm4b:s5+s2], $0x80, v3, vm1, $0xb8;
	[tilespmem:$0x19000] =	vst v63  }
.LBB2_11:
0x222: {  	_ =	sfence.sel $0x180000  }
0x223: {  	[bflag:$0x0] =	sbarrier.arrive $0xFFFF  }
0x224: {  	_ =	strace $0x90000047  }
0x225: {  	s0 =	stileid.u32;
	[bflag:$0x2] =	sbarrier.arrive $0xFFFF  }
0x226: {  	p0 =	sne.s32 s0, $0x0;
	s0 =	rddreg [dreg:$0x1]  }
0x227: {  	s0 =	sadd.s32 @!p0 $0x100000, s0  }
0x228: {  	[sflag:s0] =	ssyncadd.tile.s32 @!p0 $0x1;
	_ =	shalt  }
.Lfunc_end2:
_tile_overlayer_lowered:
.L_overlay_start_2:
0x229: {  	(tag) =	ssettag $0x2  }
0x22a: {  	s0 =	rddreg [dreg:$0x0];
	s2 =	stileid.u32  }
0x22b: {  	s1 =	rddreg [dreg:$0x1];
	p0 =	sne.s32 s2, $0x0  }
0x22c: {  	s3 =	rddreg [dreg:$0x2];
	[bflag:$0x3] =	sbarrier.arrive $0xFFFF;
	s2 =	simm.s32 @!p0 $0x1C09  }
0x22d: {  	[timem:s3], [sflag:s2] =	dma.local @!p0 [hbm:s0], s1  }
0x22e: {  	s0 =	simm.s32 @!p0 $0x9  }
0x22f: {  	_ =	swait.ge @!p0 [sflag:s0], s1  }
0x230: {  	s1 =	ssub.s32 @!p0 $0x0, s1;
	[sflag:s0] =	ssyncset.done @!p0 $0x0  }
0x231: {  	[sflag:s0] =	ssyncadd.s32 @!p0 s1  }
0x232: {  	[bflag:$0x3] =	sbarrier.arrive $0xFFFF  }
0x233: {  	_ =	shalt  }

// kernel: sparse-core-data-format-call.cloned.1.call-start
scs
called_computation_lowered:
.L_overlay_start_0:
0x0: {  	s2 =	sld [smem:$0x3FD9]  }
0x1: {  	s3 =	sld [smem:$0x3FFE];
	_ =	sdelay $0x1  }
0x2: {  	s1 =	srdreg.scid  }
0x3: {  	s0 =	sand.u32 $0x1, s1  }
0x4: {  	s18 =	sshll.u32 s0, $0xA;
	s2 =	sadd.s32 s3, s2  }
0x5: {  	s2 =	sadd.s32 s2, s18  }
0x6: {  	[smem:$0x3FC6] =	sst s2  }
0x7: {  	_ = 	snop  }
0x8: {  	s2 =	sld [smem:$0x3FD0];
	(tm) =	ssettm $0x1  }
0x9: {  	s19 =	sld [smem:$0x3FFB];
	_ =	sdelay $0x3  }
0xa: {  	_ =	strace s19  }
0xb: {  	s3 =	sld [smem:$0x3FFC];
	_ =	sdelay $0x3  }
0xc: {  	_ =	strace s3  }
0xd: {  	s3 =	sld [smem:$0x3FFD];
	_ =	sdelay $0x3  }
0xe: {  	_ =	strace s3  }
0xf: {  	_ =	strace $0x8FFFFFFF  }
0x10: {  	s20 =	sld [smem:$0x3FDB];
	_ =	sdelay $0x1  }
0x11: {  	s4 =	simm.s32 $_scs_section_size  }
0x12: {  	s5 =	simm.s32 $_size__tile_overlayer_lowered;
	s6 =	simm.s32 $_tile_overlayer_lowered  }
0x13: {  	s23 =	simm.s32 $0x1BFF;
	s22 =	sshll.u32 s6, $0x1;
	s3 =	sadd.s32 s4, s20  }
0x14: {  	s7 =	simm.s32 $0x0;
	s21 =	sshll.u32 s5, $0x1;
	s5 =	sadd.s32 s22, s3  }
0x15: {  	[timem:s7], [sflag:s23] =	dma.local [hbm:s5], s21  }
0x16: {  	_ =	swait.ge [sflag:s23], s21  }
0x17: {  	s4 =	ssub.s32 $0x0, s21;
	[sflag:s23] =	ssyncset.done $0x0  }
0x18: {  	[sflag:s23] =	ssyncadd.s32 s4;
	_ =	sdelay $0x1  }
0x19: {  	s24 =	simm.s32 $0x1B8B  }
0x1a: {  	_ =	swait.ge [sflag:s24], $0x1  }
0x1b: {  	[sflag:s24] =	ssyncset.done $0x0  }
0x1c: {  	s26 =	simm.s32 $0x1B8E;
	s25 =	sld [smem:$0x3FFE];
	[sflag:s24] =	ssyncadd.s32 $0xFFFFFFFF  }
0x1d: {  	s27 =	simm.s32 $execute0_lowered;
	[smem:$0x3FD2] =	sst s26  }
0x1e: {  	s5 =	sshll.u32 s27, $0x1;
	_ =	strace $0x80000049;
	[dreg:$0x1] =	wrdreg $0xFFFFFFFF  }
0x1f: {  	s28 =	simm.s32 $_size_execute0_lowered;
	s3 =	sadd.s32 s3, s5;
	[dreg:$0x0] =	wrdreg $0x0  }
0x20: {  	s5 =	sshll.u32 s28, $0x1;
	[dreg:$0x2] =	wrdreg s3  }
0x21: {  	[dreg:$0x3] =	wrdreg s5  }
0x22: {  	[dreg:$0x4] =	wrdreg $0xC0  }
0x23: {  	_ =	task [dreg:s7], $0x5FFFF  }
0x24: {  	[dreg:$0x1] =	wrdreg $0xFFFFFFFF  }
0x25: {  	[dreg:$0x0] =	wrdreg $0x60  }
0x26: {  	[dreg:$0x2] =	wrdreg s25  }
0x27: {  	[dreg:$0x3] =	wrdreg s2  }
0x28: {  	[dreg:$0x4] =	wrdreg $0x9  }
0x29: {  	_ =	task.clear_ibuf [dreg:s7], $0x5FFFF;
	_ =	strace $0x90000049  }
0x2a: {  	s29 =	simm.s32 $0x9;
	_ =	strace $0x8000004B  }
0x2b: {  	_ =	swait.ge [sflag:s29], $0x1  }
0x2c: {  	[sflag:s29] =	ssyncadd.s32 $0xFFFFFFFF  }
0x2d: {  	_ =	strace $0x9000004B  }
0x2e: {  	_ =	sfence  }
0x2f: {  	s30 =	sld [smem:$0x0];
	_ =	sdelay $0x2  }
0x30: {  	s31 =	sshll.u32 s1, $0xD;
	s1 =	sshrl.u32 s1, $0x2  }
0x31: {  	s3 =	sand.u32 $0x4000, s31;
	s1 =	sadd.s32 s1, s30  }
0x32: {  	s0 =	sor.u32 s3, s0;
	s1 =	sshll.u32 s1, $0x11  }
0x33: {  	s0 =	sor.u32 s1, s0  }
0x34: {  	s0 =	sadd.s32 $0x8F2B, s0  }
0x35: {  	[sflag:s0] =	ssyncadd.remote.s32 $0x1  }
0x36: {  	_ =	sfence.sel $0xFFFF  }
0x37: {  	[dreg:$0x0] =	wrdreg $0xFFFFFFFF;
	(pc) =	sbr.abs _section_cstart, $3  }
0x38: {  	[dreg:$0x1] =	wrdreg $0xFFFFFFFF  }
0x39: {  	_ =	task.clear_ibuf [dreg:s7], $0x2FFFF;
	_ =	strace $0x9FFFFFFF  }
0x3a: {  	(tm) =	ssettm $0x7FFFFFFF  }
0x3b: {  	_ =	shalt  }
tec
execute0_lowered:
.L_overlay_start_1:
0x0: {  	(tag) =	ssettag $0x1  }
0x1: {  	s0 =	srdreg.scid;
	s6 =	rddreg [dreg:$0x0]  }
0x2: {  	s3 =	rddreg [dreg:$0x1];
	s1 =	sshll.u32 s0, $0x4  }
0x3: {  	s5 =	simm.s32 $0x1;
	s0 =	stileid.u32;
	s1 =	sand.u32 $0x10, s1  }
0x4: {  	s31 =	simm.s32 $0x2;
	s16 =	simm.s32 $0x0;
	s1 =	sor.u32 s0, s1  }
0x5: {  	s8 =	simm.s32 $0x8000;
	s18 =	simm.s32 $0x0;
	s2 =	sshll.u32 s1, $0x7  }
0x6: {  	s17 =	simm.s32 $0x0;
	s9 =	simm.s32 $0x0;
	s4 =	ssub.s32 $0x1000, s2  }
0x7: {  	s10 =	simm.s32 $0x0;
	s11 =	simm.s32 $0x0;
	s30 =	sand.u32 $0xF80, s4  }
0x8: {  	s12 =	simm.s32 $0x0;
	s13 =	simm.s32 $0x0;
	p0 =	sne.s32 s30, $0x0  }
.Ltmp0:
0x9: {  	s7 =	sshrl.u32 s4, $0xC;
	s5 =	simm.s32 @!p0 $0x0;
	(pc) =	sbr.rel .LBB1_1-.Ltmp0, $4  }
0xa: {  	s15 =	simm.s32 $0x0;
	s1 =	rddreg [dreg:$0x2];
	s5 =	sadd.s32 s5, s7  }
0xb: {  	_ =	strace $0x8000004A;
	s4 =	simm.s32 $0x1;
	s5 =	smul.u32 $0x96, s5  }
0xc: {  	s6 =	sadd.s32 $0x4A4200, s6;
	s14 =	smov.u32 s2;
	[sflag:s4] =	ssyncpa.u1 $0x0  }
0xd: {  	[sflag:s31] =	ssyncpa.u1 $0x0;
	p0 =	por $0x0, $0x0;
	s7 =	sor.u32 $0x1, s5  }
.LBB1_4:
0xe: {  	s23 =	sshra.s32 s23, $0x2;
	s30 =	sshll.u32 s9, $0xC  }
0xf: {  	p1 =	sgt.s32 s10, $0x31;
	s24 =	smov.u32 s10;
	s25 =	sshra.s32 s10, $0x1F  }
0x10: {  	s26 =	sshll.u32 s11, $0x3;
	s28 =	smov.u32 s11;
	s29 =	sshra.s32 s11, $0x1F  }
0x11: {  	s22 =	sadd.s32 s23, s22;
	s24 =	simm.s32 @!p1 $0x31;
	s25 =	sand.u32 s25, s10  }
0x12: {  	s23 =	sand.u32 $0xFFFF8000, s30;
	s27 =	sand.u32 $0xFFFFFC00, s26;
	p1 =	sgt.s32 s9, $0xB0  }
0x13: {  	s31 =	sand.u32 s29, s11;
	s29 =	sshll.u32 s9, $0x7;
	s30 =	sshra.s32 s9, $0x1F  }
0x14: {  	[tilespmem:s21+$0x2040 ss:$0x81] =	vst.msk $0xffff, v4;
	s24 =	ssub.s32 s24, s25;
	s23 =	sadd.s32 s27, s23;
	s27 =	smov.u32 s9  }
0x15: {  	[tilespmem:s21+$0x2850 ss:$0x81] =	vst.msk $0xffff, v3;
	s29 =	sand.u32 $0x380, s29;
	s25 =	sadd.s32 $0xFFFFFFCF, s24;
	s27 =	simm.s32 @!p1 $0xB0  }
0x16: {  	v5 =	vld [tilespmem:s20+$0xFFFFFFD0];
	[tilespmem:s21+$0x3060 ss:$0x81] =	vst.msk $0xffff, v2;
	p1 =	sgt.s32 s11, $0xF80;
	s23 =	sshrl.u32 s23, $0xC;
	s24 =	ssub.s32 $0x32, s24  }
0x17: {  	v58 =	vld [tilespmem:s20+$0xFFFFFFE0];
	[tilespmem:s21+$0x0 ss:$0x81] =	vst.msk $0xffff, v1;
	s28 =	simm.s32 @!p1 $0xF80;
	p1 =	sgt.s32 s25, $0x0;
	s21 =	smulhi.u32 $0xD79436, s23  }
0x18: {  	v59 =	vld [tilespmem:s20+$0xFFFFFFF0];
	s25 =	ssub.s32 s28, s31;
	s28 =	sand.u32 s30, s9;
	s24 =	simm.s32 @p1 $0x0  }
0x19: {  	v60 =	vld [tilespmem:s20+$0x0];
	s27 =	ssub.s32 s27, s28;
	s31 =	sadd.s32 $0xFFFFF080, s25;
	s25 =	ssub.s32 $0x1000, s25  }
0x1a: {  	v61 =	vld [tilespmem:s20+$0x10];
	[tilespmem:s22+$0x3870 ss:$0x81] =	vst.msk $0xffff, v0;
	s21 =	smul.u32 $0x130, s21;
	s28 =	sand.u32 $0x7, s11;
	p1 =	sgt.s32 s31, $0x7F  }
0x1b: {  	v62 =	vld [tilespmem:s20+$0x20];
	[tilespmem:s22+$0x810 ss:$0x81] =	vst.msk $0xffff, v5;
	s30 =	sadd.s32 $0xFFFFFF50, s27;
	s31 =	sand.u32 $0x78, s11;
	s25 =	simm.s32 @p1 $0x0  }
0x1c: {  	v63 =	vld [tilespmem:s20+$0xFFFFFFC0];
	[tilespmem:s22+$0x1020 ss:$0x81] =	vst.msk $0xffff, v58;
	p1 =	sgt.s32 s30, $0x7F;
	s30 =	sand.u32 $0xC00, s26;
	s24 =	smul.u32 s25, s24  }
0x1d: {  	[tilespmem:s22+$0x1830 ss:$0x81] =	vst.msk $0xffff, v59;
	s26 =	ssub.s32 $0x130, s27;
	s20 =	sor.u32 s31, s30;
	s31 =	smul.u32 $0x26000, s10  }
0x1e: {  	[tilespmem:s22+$0x2040 ss:$0x81] =	vst.msk $0xffff, v60;
	s21 =	ssub.s32 s23, s21;
	s26 =	simm.s32 @p1 $0x0;
	s20 =	sor.u32 s29, s20  }
0x1f: {  	[tilespmem:s22+$0x2850 ss:$0x81] =	vst.msk $0xffff, v61;
	s26 =	smul.u32 s26, s24;
	s20 =	sshrl.u32 s20, $0x3;
	s27 =	sadd.s32 s3, s31  }
0x20: {  	[tilespmem:s22+$0x3060 ss:$0x81] =	vst.msk $0xffff, v62;
	s21 =	sshll.u32 s21, $0x9;
	s29 =	sshll.u32 s28, $0x12;
	s20 =	sadd.s32 s20, s27  }
0x21: {  	[tilespmem:s22+$0x0 ss:$0x81] =	vst.msk $0xffff, v63;
	s31 =	sor.u32 $0x400, s29;
	s30 =	sand.u32 $0x3FFFFFFF, s26;
	s20 =	sadd.s32 s21, s20  }
0x22: {  	[hbm4b:s20+s31] =	stream.strided.scatter [tilespmem:s19], [sflag:$0x2], s30, s8, s31, $0x20;
	[tilespmem:$0x10100] =	vst v63  }
.LBB1_5:
0x23: {  	p1 =	slt.u32 s15, $0x2  }
0x24: {  	p2 =	sgt.s32 @!p1 s18, $0x31  }
0x25: {  	s19 =	smov.u32 s18;
	s20 =	sshra.s32 @!p1 s18, $0x1F;
	p2 =	por !p2, p1  }
0x26: {  	s18 =	sand.u32 @!p1 s20, s18;
	s19 =	simm.s32 @p2 $0x31  }
0x27: {  	p3 =	sgt.s32 @!p1 s16, $0xB0;
	s18 =	ssub.s32 @!p1 s19, s18  }
0x28: {  	p4 =	sgt.s32 @!p1 s17, $0xF80;
	s21 =	sshra.s32 @!p1 s17, $0x1F;
	s19 =	sadd.s32 @!p1 $0xFFFFFFCF, s18  }
0x29: {  	s20 =	smov.u32 s16;
	p2 =	sgt.s32 @!p1 s19, $0x0;
	s19 =	sshra.s32 @!p1 s16, $0x1F  }
0x2a: {  	p4 =	por !p4, p1;
	s16 =	sand.u32 @!p1 s19, s16;
	s19 =	smov.u32 s17  }
0x2b: {  	p3 =	por !p3, p1;
	s17 =	sand.u32 @!p1 s21, s17;
	s19 =	simm.s32 @p4 $0xF80  }
0x2c: {  	s20 =	simm.s32 @p3 $0xB0;
	s18 =	ssub.s32 @!p1 $0x32, s18;
	s17 =	ssub.s32 @!p1 s19, s17  }
0x2d: {  	p2 =	por !p2, p1;
	s16 =	ssub.s32 @!p1 s20, s16;
	s20 =	sadd.s32 @!p1 $0xFFFFF080, s17  }
0x2e: {  	s18 =	simm.s32 @!p2 $0x0;
	p3 =	sgt.s32 @!p1 s20, $0x7F  }
0x2f: {  	s19 =	sadd.s32 @!p1 $0xFFFFFF50, s16;
	s17 =	ssub.s32 @!p1 $0x1000, s17;
	p3 =	por !p3, p1  }
0x30: {  	p2 =	sgt.s32 @!p1 s19, $0x7F;
	s19 =	sadd.s32 $0x80, s12;
	s17 =	simm.s32 @!p3 $0x0  }
0x31: {  	p3 =	sgt.s32 s19, $0x12B;
	s17 =	smul.u32 @!p1 s17, s18;
	s18 =	simm.s32 $0x1  }
0x32: {  	s16 =	ssub.s32 @!p1 $0x130, s16;
	p2 =	por !p2, p1;
	s18 =	simm.s32 @!p3 $0x0  }
0x33: {  	s21 =	smov.u32 s14;
	s16 =	simm.s32 @!p2 $0x0;
	s20 =	sadd.s32 s18, s13  }
0x34: {  	s16 =	smul.u32 @!p1 s16, s17;
	s17 =	sadd.s32 $0x1000, s14;
	p2 =	sgt.s32 s20, $0x31  }
0x35: {  	p0 =	por !p0, !p0;
	s22 =	simm.s32 @!p1 $0x2;
	s21 =	smov.u32 @p2 s17  }
0x36: {  	s19 =	simm.s32 @p3 $0x0;
	s20 =	simm.s32 @p2 $0x0;
	p2 =	sgt.s32 s21, $0xFFF  }
0x37: {  	s18 =	smov.u32 s10;
	s21 =	smov.u32 @p2 s2;
	p2 =	sne.s32 s15, s7  }
.Ltmp1:
0x38: {  	s10 =	smov.u32 s13;
	s16 =	sand.u32 @!p1 $0x3FFFFFFF, s16;
	(pc) =	sbr.rel @!p2 .LBB1_6-.Ltmp1, $4  }
0x39: {  	s17 =	smov.u32 s11;
	s11 =	smov.u32 s14;
	_ =	swait.ge @!p1 [sflag:s22], s16  }
0x3a: {  	s23 =	ssub.s32 @!p1 $0x0, s16;
	s16 =	smov.u32 s9;
	s9 =	smov.u32 s12  }
0x3b: {  	s12 =	smov.u32 s19;
	s13 =	smov.u32 s20;
	[sflag:s22] =	ssyncset.done @!p1 $0x0  }
0x3c: {  	s15 =	sadd.s32 $0x1, s15;
	[sflag:s22] =	ssyncadd.s32 @!p1 s23;
	s14 =	smov.u32 s21  }
.LBB1_1:
0x3d: {  	p1 =	sge.u32 s15, s5  }
0x3e: {  	s19 =	sshrl.u32 @!p1 s13, $0x3  }
0x3f: {  	s20 =	sshll.u32 @!p1 s12, $0x3;
	s19 =	smul.u32 @!p1 $0xC00, s19  }
0x40: {  	s21 =	sshll.u32 @!p1 s13, $0x7;
	s20 =	sand.u32 @!p1 $0xFFFFFC00, s20  }
0x41: {  	s19 =	sadd.s32 @!p1 s19, s20;
	s20 =	sand.u32 @!p1 $0x380, s21  }
0x42: {  	s19 =	sor.u32 @!p1 s20, s19  }
0x43: {  	s20 =	sand.u32 @!p1 $0x7F, s12;
	s21 =	smulhi.u32 @!p1 $0xAAAAAAAB, s19  }
0x44: {  	s19 =	sor.u32 @!p1 s20, s19  }
0x45: {  	s20 =	smulhi.u32 @!p1 $0xAAAAAAAB, s19;
	s21 =	sshrl.u32 @!p1 s21, $0x8  }
0x46: {  	s22 =	smulhi.u32 @!p1 $0x4924925, s21;
	_ =	sdelay $0x1  }
0x47: {  	s20 =	sshrl.u32 @!p1 s20, $0x8;
	s22 =	smul.u32 @!p1 $0x38, s22  }
0x48: {  	s31 =	sadd.s32 $0xFFFFFFFF, s15;
	s20 =	smul.u32 @!p1 $0x180, s20  }
0x49: {  	s23 =	sxor.u32 @!p1 $0xFFFFFFFF, s15;
	s21 =	ssub.s32 @!p1 s21, s22;
	s22 =	smul.u32 @!p1 $0xA80, s14  }
0x4a: {  	s23 =	sshll.u32 @!p1 s23, $0xE;
	s19 =	ssub.s32 @!p1 s19, s20;
	s20 =	smul.u32 @!p1 $0x30, s21  }
0x4b: {  	s21 =	sand.u32 @!p1 $0x4000, s23;
	s23 =	sand.u32 @!p1 $0x7, s19;
	s22 =	sadd.s32 @!p1 s6, s22  }
0x4c: {  	s19 =	sshrl.u32 @!p1 s19, $0x3;
	s20 =	sadd.s32 @!p1 s20, s22;
	s22 =	sshll.u32 @!p1 s23, $0x12  }
0x4d: {  	s19 =	sadd.s32 @!p1 s19, s20;
	s20 =	sor.u32 @!p1 $0x80, s22;
	s22 =	simm.s32 @!p1 $0x5400  }
0x4e: {  	[tilespmem:s21], [sflag:$0x1] =	stream.strided.gather @!p1 [hbm4b:s19+s20], $0x4000, s22, s20, $0x38;
	[tilespmem:$0x10100] =	vst v63  }
0x4f: {  	p1 =	sge.u32 s31, s5  }
.Ltmp2:
0x50: {  	_ = 	snop;
	(pc) =	sbr.rel @p1 .LBB1_5-.Ltmp2, $1  }
0x51: {  	_ =	sdelay $0x3  }
0x52: {  	s19 =	simm.s32 $0x1  }
0x53: {  	_ =	swait.ge [sflag:s4], $0x4000;
	s19 =	simm.s32 @!p0 $0x0  }
0x54: {  	[sflag:s4] =	ssyncset.done $0x0;
	s20 =	sshll.u32 s19, $0xE  }
0x55: {  	[sflag:s4] =	ssyncadd.s32 $0xFFFFC000;
	s20 =	sor.u32 $0x40, s20  }
0x56: {  	s19 =	smul.u32 $0x10200, s19;
	v0 =	vld [tilespmem:s20+$0x30]  }
0x57: {  	v1 =	vld [tilespmem:s20+$0xFFFFFFD0]  }
0x58: {  	s19 =	sshrl.u32 s19, $0x2;
	v5 =	vld [tilespmem:s20+$0xFFFFFFE0]  }
0x59: {  	v6 =	vld [tilespmem:s20+$0xFFFFFFF0];
	s22 =	sor.u32 $0x8000, s19  }
0x5a: {  	s31 =	sand.u32 $0x1, s15;
	v4 =	vld [tilespmem:s20+$0x0];
	s21 =	sadd.s32 $0x0, s22  }
0x5b: {  	v3 =	vld [tilespmem:s20+$0x10];
	s19 =	smul.u32 $0x10200, s31;
	[tilespmem:s21+$0x3870 ss:$0x81] =	vst.msk $0xffff, v0  }
0x5c: {  	v2 =	vld [tilespmem:s20+$0x20];
	[tilespmem:s21+$0x810 ss:$0x81] =	vst.msk $0xffff, v1  }
0x5d: {  	s19 =	sshrl.u32 s19, $0x2;
	v1 =	vld [tilespmem:s20+$0xFFFFFFC0];
	[tilespmem:s21+$0x1020 ss:$0x81] =	vst.msk $0xffff, v5;
	s20 =	sadd.s32 $0x80, s20  }
0x5e: {  	s23 =	simm.s32 $0x4;
	s24 =	simm.s32 $0x8;
	s19 =	sor.u32 $0x8000, s19;
	[tilespmem:s21+$0x1830 ss:$0x81] =	vst.msk $0xffff, v6;
	v0 =	vld [tilespmem:s20+$0x30]  }
.LBB1_3:
0x5f: {  	p1 =	sne.s32 s24, $0x1FC;
	v5 =	vld [tilespmem:s20+$0xFFFFFFD0];
	[tilespmem:s21+$0x2040 ss:$0x81] =	vst.msk $0xffff, v4  }
0x60: {  	v6 =	vld [tilespmem:s20+$0xFFFFFFE0];
	[tilespmem:s21+$0x2850 ss:$0x81] =	vst.msk $0xffff, v3  }
0x61: {  	s25 =	sshra.s32 s23, $0x2;
	s23 =	smov.u32 s24;
	v7 =	vld [tilespmem:s20+$0xFFFFFFF0];
	[tilespmem:s21+$0x3060 ss:$0x81] =	vst.msk $0xffff, v2  }
.Ltmp3:
0x62: {  	v4 =	vld [tilespmem:s20+$0x0];
	[tilespmem:s21+$0x0 ss:$0x81] =	vst.msk $0xffff, v1;
	s21 =	sadd.s32 s25, s22;
	(pc) =	sbr.rel @p1 .LBB1_3-.Ltmp3, $4  }
0x63: {  	v3 =	vld [tilespmem:s20+$0x10];
	[tilespmem:s21+$0x3870 ss:$0x81] =	vst.msk $0xffff, v0  }
0x64: {  	[tilespmem:s21+$0x810 ss:$0x81] =	vst.msk $0xffff, v5;
	v2 =	vld [tilespmem:s20+$0x20]  }
0x65: {  	v1 =	vld [tilespmem:s20+$0xFFFFFFC0];
	[tilespmem:s21+$0x1020 ss:$0x81] =	vst.msk $0xffff, v6;
	s20 =	sadd.s32 $0x80, s20  }
0x66: {  	s24 =	sadd.s32 $0x4, s24;
	v0 =	vld [tilespmem:s20+$0x30];
	[tilespmem:s21+$0x1830 ss:$0x81] =	vst.msk $0xffff, v7  }
.Ltmp4:
0x67: {  	_ = 	snop;
	(pc) =	sbr.rel .LBB1_4-.Ltmp4, $1  }
0x68: {  	_ =	sdelay $0x3  }
.LBB1_6:
0x69: {  	_ =	sfence.sel $0x180000  }
0x6a: {  	s2 =	simm.s32 $0x1;
	[bflag:$0x0] =	sbarrier.arrive $0xFFFF  }
0x6b: {  	s31 =	simm.s32 $0x2;
	[sflag:s2] =	ssyncpa.u1 $0x1  }
0x6c: {  	[sflag:s31] =	ssyncpa.u1 $0x1  }
0x6d: {  	p0 =	sne.s32 s0, $0x0;
	_ =	strace $0x9000004A  }
0x6e: {  	s0 =	sadd.s32 @!p0 $0x100000, s1;
	[bflag:$0x2] =	sbarrier.arrive $0xFFFF  }
0x6f: {  	[sflag:s0] =	ssyncadd.tile.s32 @!p0 $0x1;
	_ =	shalt  }
.Lfunc_end1:
_tile_overlayer_lowered:
.L_overlay_start_2:
0x70: {  	(tag) =	ssettag $0x2  }
0x71: {  	s0 =	rddreg [dreg:$0x0];
	s2 =	stileid.u32  }
0x72: {  	s1 =	rddreg [dreg:$0x1];
	p0 =	sne.s32 s2, $0x0  }
0x73: {  	s3 =	rddreg [dreg:$0x2];
	[bflag:$0x3] =	sbarrier.arrive $0xFFFF;
	s2 =	simm.s32 @!p0 $0x1C01  }
0x74: {  	[timem:s3], [sflag:s2] =	dma.local @!p0 [hbm:s0], s1  }
0x75: {  	s0 =	simm.s32 @!p0 $0x1  }
0x76: {  	_ =	swait.ge @!p0 [sflag:s0], s1  }
0x77: {  	s1 =	ssub.s32 @!p0 $0x0, s1;
	[sflag:s0] =	ssyncset.done @!p0 $0x0  }
0x78: {  	[sflag:s0] =	ssyncadd.s32 @!p0 s1  }
0x79: {  	[bflag:$0x3] =	sbarrier.arrive $0xFFFF  }
0x7a: {  	_ =	shalt  }

</sc_bundles>
